<compile_context>
chip_gen: v7x
topology: tpu7x:2x2x1
jax: 0.10.2.dev20260603
libtpu: 0.0.44.dev20260713+nightly
codegen_flags: <defaults>
</compile_context>

<pallas_src>
import functools

import numpy as np
import jax
import jax.numpy as jnp
from jax import lax
from jax.experimental import pallas as pl
from jax.experimental.pallas import tpu as pltpu
from jax.experimental.pallas import tpu_sc as plsc

N = 10000
E = 320000
D = 128
C_U = 1.0
C_SIGMA = 2.0
COEF = float(np.sqrt(C_SIGMA / D))

NC, NS = 2, 16
NW = NC * NS
CHUNK = 128
N_PAD = 10240
SLAB = N_PAD // NS
NCHUNK = 80
TILE_E = NCHUNK * CHUNK
E_PAD = NW * TILE_E
ZROWS = 128

_MESH = plsc.VectorSubcoreMesh(core_axis_name="c", subcore_axis_name="s")


@functools.partial(
    pl.kernel,
    out_type=jax.ShapeDtypeStruct((NC, N_PAD), jnp.float32),
    mesh=_MESH,
    scratch_types=[
        pltpu.VMEM_SHARED((N_PAD,), jnp.float32),
        pltpu.VMEM((NCHUNK, CHUNK), jnp.int32),
        pltpu.VMEM((CHUNK,), jnp.float32),
        pltpu.VMEM((SLAB,), jnp.float32),
        pltpu.SemaphoreType.DMA,
    ],
)
def _deg_kernel(row_hbm, deg_out, deg_sh, row_v, ones_v, zb_v, sem_d):
    cid = lax.axis_index("c")
    sid = lax.axis_index("s")
    wid = cid * NS + sid

    def fill_ones(i, _):
        ones_v[pl.ds(i * 16, 16)] = jnp.ones((16,), jnp.float32)
        return 0

    lax.fori_loop(0, CHUNK // 16, fill_ones, 0)

    def fill_zero(i, _):
        zb_v[pl.ds(i * 16, 16)] = jnp.zeros((16,), jnp.float32)
        return 0

    lax.fori_loop(0, SLAB // 16, fill_zero, 0)
    pltpu.sync_copy(zb_v, deg_sh.at[pl.ds(sid * SLAB, SLAB)])
    pltpu.sync_copy(row_hbm.at[pl.ds(wid * NCHUNK, NCHUNK)], row_v)
    plsc.subcore_barrier()

    def chunk(gi, _):
        for k in range(8):
            pltpu.async_copy(ones_v, deg_sh.at[row_v.at[gi * 8 + k]],
                             sem_d, add=True)
        for k in range(8):
            pltpu.make_async_copy(ones_v, deg_sh.at[row_v.at[gi * 8 + k]],
                                  sem_d).wait()
        return 0

    lax.fori_loop(0, NCHUNK // 8, chunk, 0)
    plsc.subcore_barrier()
    pltpu.sync_copy(deg_sh.at[pl.ds(sid * SLAB, SLAB)],
                    deg_out.at[cid, pl.ds(sid * SLAB, SLAB)])


GROUP = 8
NGROUP = NCHUNK // GROUP


@functools.partial(
    pl.kernel,
    out_type=jax.ShapeDtypeStruct((NC, N_PAD, D), jnp.float32),
    mesh=_MESH,
    scratch_types=[
        pltpu.VMEM_SHARED((N_PAD, D), jnp.float32),
        pltpu.VMEM((GROUP, CHUNK), jnp.int32),
        pltpu.VMEM((GROUP, CHUNK), jnp.int32),
        pltpu.VMEM((CHUNK, D), jnp.float32),
        pltpu.VMEM((CHUNK, D), jnp.float32),
        pltpu.SemaphoreType.DMA,
        pltpu.SemaphoreType.DMA,
    ],
)
def _scatter_kernel(g_hbm, row_hbm, col_hbm, z_hbm, s_out,
                    acc_sh, row_v, col_v, buf_a, buf_b, sem_a, sem_b):
    cid = lax.axis_index("c")
    sid = lax.axis_index("s")
    wid = cid * NS + sid

    @pl.when(cid == 0)
    def _():
        pltpu.sync_copy(g_hbm.at[pl.ds(sid * SLAB, SLAB)],
                        acc_sh.at[pl.ds(sid * SLAB, SLAB)])

    @pl.when(cid != 0)
    def _():
        for k in range(SLAB // ZROWS):
            pltpu.sync_copy(z_hbm,
                            acc_sh.at[pl.ds(sid * SLAB + k * ZROWS, ZROWS)])

    plsc.subcore_barrier()

    bufs = (buf_a, buf_b)
    sems = (sem_a, sem_b)

    def group(gi, _):
        blk = wid * NCHUNK + gi * GROUP
        pltpu.sync_copy(row_hbm.at[pl.ds(blk, GROUP)], row_v)
        pltpu.sync_copy(col_hbm.at[pl.ds(blk, GROUP)], col_v)
        pltpu.async_copy(g_hbm.at[row_v.at[0]], buf_a, sem_a)
        for k in range(GROUP - 1):
            pltpu.async_copy(g_hbm.at[row_v.at[k + 1]],
                             bufs[(k + 1) % 2], sems[(k + 1) % 2])
            pltpu.make_async_copy(g_hbm.at[pl.ds(0, CHUNK)],
                                  bufs[k % 2], sems[k % 2]).wait()
            pltpu.sync_copy(bufs[k % 2], acc_sh.at[col_v.at[k]], add=True)
        pltpu.make_async_copy(g_hbm.at[pl.ds(0, CHUNK)],
                              bufs[(GROUP - 1) % 2], sems[(GROUP - 1) % 2]).wait()
        pltpu.sync_copy(bufs[(GROUP - 1) % 2],
                        acc_sh.at[col_v.at[GROUP - 1]], add=True)
        return 0

    lax.fori_loop(0, NGROUP, group, 0)
    plsc.subcore_barrier()
    pltpu.sync_copy(acc_sh.at[pl.ds(sid * SLAB, SLAB)],
                    s_out.at[cid, pl.ds(sid * SLAB, SLAB)])


def _lin_body(x_ref, w_ref, b_ref, dp_ref, g_ref, dinv_ref):
    deg = (dp_ref[0] + dp_ref[1] + 1.0).reshape(N_PAD, 1)
    dinv = lax.rsqrt(deg)
    h = lax.dot_general(x_ref[...], w_ref[...],
                        (((1,), (1,)), ((), ())),
                        preferred_element_type=jnp.float32)
    g_ref[pl.ds(0, N), :] = dinv[:N] * (h + b_ref[...].reshape(1, D))
    g_ref[pl.ds(N, N_PAD - N), :] = jnp.zeros((N_PAD - N, D), jnp.float32)
    dinv_ref[...] = dinv


_lin_call = pl.pallas_call(
    _lin_body,
    out_shape=[
        jax.ShapeDtypeStruct((N_PAD, D), jnp.float32),
        jax.ShapeDtypeStruct((N_PAD, 1), jnp.float32),
    ],
)


def _fin_body(s_ref, dinv_ref, o_ref):
    s = s_ref[0] + s_ref[1]
    o_ref[...] = (COEF * jnp.maximum(C_U * dinv_ref[...] * s, 0.0))[:N]


_fin_call = pl.pallas_call(
    _fin_body,
    out_shape=jax.ShapeDtypeStruct((N, D), jnp.float32),
)


def kernel(x, edge_index, W, b):
    row = edge_index[0]
    col = edge_index[1]
    pad = (N + jnp.arange(E_PAD - E, dtype=jnp.int32) % (N_PAD - N))
    row_pad = jnp.concatenate([row, pad]).reshape(NW * NCHUNK, CHUNK)
    col_pad = jnp.concatenate([col, pad]).reshape(NW * NCHUNK, CHUNK)

    degp = _deg_kernel(row_pad)
    g, dinv = _lin_call(x, W, b, degp)

    zeros = jnp.zeros((ZROWS, D), jnp.float32)
    S = _scatter_kernel(g, row_pad, col_pad, zeros)
    return _fin_call(S, dinv)

# --- scband reference (transcript-rebuilt; emitter-appended) ---
"""Pipeline reference for scband-block-41059887350054 (READ-ONLY COPY).

The authoritative reference and input builder live on the scoring server;
editing this copy changes nothing except your own understanding.
"""

import jax, jax.numpy as jnp
import numpy as np

N = 10000
E = 320000
D = 128
C_U = 1.0
C_SIGMA = 2.0
COEF = float(np.sqrt(C_SIGMA / D))


def setup_inputs(seed: int = 0) -> dict:
    key = jax.random.key(seed)
    k1, k2, k3, k4 = jax.random.split(key, 4)
    x = jax.random.normal(k1, (N, D), dtype=jnp.float32)
    edge_index = jax.random.randint(k2, (2, E), 0, N, dtype=jnp.int32)
    # Linear layer params (torch nn.Linear: out = x @ W.T + b)
    bound = 1.0 / np.sqrt(D)
    W = jax.random.uniform(k3, (D, D), minval=-bound, maxval=bound, dtype=jnp.float32)
    b = jax.random.uniform(k4, (D,), minval=-bound, maxval=bound, dtype=jnp.float32)
    return {"x": x, "edge_index": edge_index, "W": W, "b": b}


def reference(x, edge_index, W, b):
    # add_self_loops
    loops = jnp.stack([jnp.arange(N, dtype=edge_index.dtype), jnp.arange(N, dtype=edge_index.dtype)])
    ei = jnp.concatenate([edge_index, loops], axis=1)
    # GCNConv: linear then propagate with aggr='add'
    h = x @ W.T + b
    row = ei[0]
    col = ei[1]
    deg = jnp.bincount(row, length=N).astype(h.dtype)
    deg_inv_sqrt = deg ** -0.5
    norm = deg_inv_sqrt[row] * deg_inv_sqrt[col]
    # message: norm * x_j where x_j = h[row] (source), aggregate at col (target)
    msg = norm[:, None] * jnp.take(h, row, axis=0)
    aggr = jnp.zeros((N, D), dtype=h.dtype).at[col].add(msg)
    # Block forward
    out = COEF * jax.nn.relu(C_U * aggr)
    return out

if __name__ == "__main__":
    import jax
    _d = setup_inputs()
    print(jax.jit(kernel)(*tuple(_d.values())))

</pallas_src>

<mosaic_0001>
#map = affine_map<(d0, d1) -> (0, 0)>
module attributes {stable_mosaic.version = 14 : i64} {
  func.func @_deg_kernel(%arg0: i32, %arg1: i32, %arg2: memref<2560x128xi32, #tpu.memory_space<hbm>>, %arg3: memref<2x10240xf32, #tpu.memory_space<hbm>>, %arg4: memref<10240xf32, #tpu.memory_space<vmem_shared>>, %arg5: memref<80x128xi32, #tpu.memory_space<vmem>>, %arg6: memref<128xf32, #tpu.memory_space<vmem>>, %arg7: memref<640xf32, #tpu.memory_space<vmem>>, %arg8: memref<!tpu.dma_semaphore, #tpu.memory_space<semaphore_mem>>) attributes {dimension_semantics = [#tpu.dimension_semantics<core_parallel>, #tpu.dimension_semantics<subcore_parallel>], iteration_bounds = array<i64: 2, 16>, scalar_prefetch = 0 : i64, scratch_operands = 5 : i64, tpu.core_type = #tpu.core_type<sc_vector_subcore>, window_params = [{transform_indices = #map}, {transform_indices = #map}]} {
    %mul3A = arith.constant 16 : i32
    %mul3A_0 = arith.muli %arg0, %mul3A : i32
    %add3A = arith.addi %mul3A_0, %arg1 : i32
    %scan3A = arith.constant 0 : i32
    %scan3A_1 = arith.constant 0 : i32
    %scan3A_2 = arith.constant 8 : i32
    %scan3A_3 = arith.addi %scan3A_1, %scan3A_2 : i32
    %scan3A_4 = arith.constant 1 : i32
    %scan3A_5 = scf.for %scan3A_30 = %scan3A_1 to %scan3A_3 step %scan3A_4 iter_args(%scan3A_31 = %scan3A) -> (i32)  : i32 {
      %broadcast_in_dim3A = arith.constant 1.000000e+00 : f32
      %broadcast_in_dim3A_32 = vector.broadcast %broadcast_in_dim3A : f32 to vector<16xf32>
      %mul3A_33 = arith.constant 16 : i32
      %mul3A_34 = arith.muli %scan3A_30, %mul3A_33 : i32
      %swap3A = arith.index_cast %mul3A_34 : i32 to index
      %swap3A_35 = tpu.vector_load %arg6[%swap3A] {strides = array<i32>} : memref<128xf32, #tpu.memory_space<vmem>>, vector<16xf32>,
      %swap3A_36 = vector.shape_cast %swap3A_35 : vector<16xf32> to vector<16xf32>
      %swap3A_37 = vector.shape_cast %broadcast_in_dim3A_32 : vector<16xf32> to vector<16xf32>
      tpu.vector_store %arg6[%swap3A], %swap3A_37 {strides = array<i32>} : memref<128xf32, #tpu.memory_space<vmem>>, vector<16xf32>,
      %scan3A_38 = arith.constant 0 : i32
      scf.yield %scan3A_38 : i32
    }
    %scan3A_6 = arith.constant 8 : i32
    %scan3A_7 = arith.constant 0 : i32
    %scan3A_8 = arith.constant 0 : i32
    %scan3A_9 = arith.constant 40 : i32
    %scan3A_10 = arith.addi %scan3A_8, %scan3A_9 : i32
    %scan3A_11 = arith.constant 1 : i32
    %scan3A_12 = scf.for %scan3A_30 = %scan3A_8 to %scan3A_10 step %scan3A_11 iter_args(%scan3A_31 = %scan3A_7) -> (i32)  : i32 {
      %broadcast_in_dim3A = arith.constant 0.000000e+00 : f32
      %broadcast_in_dim3A_32 = vector.broadcast %broadcast_in_dim3A : f32 to vector<16xf32>
      %mul3A_33 = arith.constant 16 : i32
      %mul3A_34 = arith.muli %scan3A_30, %mul3A_33 : i32
      %swap3A = arith.index_cast %mul3A_34 : i32 to index
      %swap3A_35 = tpu.vector_load %arg7[%swap3A] {strides = array<i32>} : memref<640xf32, #tpu.memory_space<vmem>>, vector<16xf32>,
      %swap3A_36 = vector.shape_cast %swap3A_35 : vector<16xf32> to vector<16xf32>
      %swap3A_37 = vector.shape_cast %broadcast_in_dim3A_32 : vector<16xf32> to vector<16xf32>
      tpu.vector_store %arg7[%swap3A], %swap3A_37 {strides = array<i32>} : memref<640xf32, #tpu.memory_space<vmem>>, vector<16xf32>,
      %scan3A_38 = arith.constant 0 : i32
      scf.yield %scan3A_38 : i32
    }
    %scan3A_13 = arith.constant 40 : i32
    %mul3A_14 = arith.constant 640 : i32
    %mul3A_15 = arith.muli %arg1, %mul3A_14 : i32
    "tpu.region"() ({
      %run_scoped3A = tpu.sem_alloc : memref<!tpu.dma_semaphore, #tpu.memory_space<semaphore_mem>>
      %dma_start3A = tpu.memref_slice %arg4[%mul3A_15] : memref<10240xf32, #tpu.memory_space<vmem_shared>> -> memref<640xf32, #tpu.memory_space<vmem_shared>>
      %dma_start3A_30 = tpu.memref_slice %arg4[%mul3A_15] : memref<10240xf32, #tpu.memory_space<vmem_shared>> -> memref<640xf32, #tpu.memory_space<vmem_shared>>
      tpu.enqueue_dma source(%arg7 : memref<640xf32, #tpu.memory_space<vmem>>) target(%dma_start3A_30 : memref<640xf32, #tpu.memory_space<vmem_shared>>) target_semaphore(%run_scoped3A : memref<!tpu.dma_semaphore, #tpu.memory_space<semaphore_mem>>)
      %dma_wait3A = tpu.memref_slice %arg4[%mul3A_15] : memref<10240xf32, #tpu.memory_space<vmem_shared>> -> memref<640xf32, #tpu.memory_space<vmem_shared>>
      %dma_wait3A_31 = tpu.memref_slice %arg4[%mul3A_15] : memref<10240xf32, #tpu.memory_space<vmem_shared>> -> memref<640xf32, #tpu.memory_space<vmem_shared>>
      tpu.wait_dma2 semaphore(%run_scoped3A : memref<!tpu.dma_semaphore, #tpu.memory_space<semaphore_mem>>) src(%arg7 : memref<640xf32, #tpu.memory_space<vmem>>) dst(%dma_wait3A_31 : memref<640xf32, #tpu.memory_space<vmem_shared>>)
      tpu.yield
    }) : () -> ()
    %mul3A_16 = arith.constant 80 : i32
    %mul3A_17 = arith.muli %add3A, %mul3A_16 : i32
    "tpu.region"() ({
      %run_scoped3A = tpu.sem_alloc : memref<!tpu.dma_semaphore, #tpu.memory_space<semaphore_mem>>
      %dma_start3A = arith.constant 0 : i32
      %dma_start3A_30 = tpu.memref_slice %arg2[%mul3A_17, %dma_start3A] : memref<2560x128xi32, #tpu.memory_space<hbm>> -> memref<80x128xi32, #tpu.memory_space<hbm>>
      %dma_start3A_31 = arith.constant 0 : i32
      %dma_start3A_32 = tpu.memref_slice %arg2[%mul3A_17, %dma_start3A_31] : memref<2560x128xi32, #tpu.memory_space<hbm>> -> memref<80x128xi32, #tpu.memory_space<hbm>>
      tpu.enqueue_dma source(%dma_start3A_32 : memref<80x128xi32, #tpu.memory_space<hbm>>) target(%arg5 : memref<80x128xi32, #tpu.memory_space<vmem>>) target_semaphore(%run_scoped3A : memref<!tpu.dma_semaphore, #tpu.memory_space<semaphore_mem>>)
      %dma_wait3A = arith.constant 0 : i32
      %dma_wait3A_33 = tpu.memref_slice %arg2[%mul3A_17, %dma_wait3A] : memref<2560x128xi32, #tpu.memory_space<hbm>> -> memref<80x128xi32, #tpu.memory_space<hbm>>
      %dma_wait3A_34 = arith.constant 0 : i32
      %dma_wait3A_35 = tpu.memref_slice %arg2[%mul3A_17, %dma_wait3A_34] : memref<2560x128xi32, #tpu.memory_space<hbm>> -> memref<80x128xi32, #tpu.memory_space<hbm>>
      tpu.wait_dma2 semaphore(%run_scoped3A : memref<!tpu.dma_semaphore, #tpu.memory_space<semaphore_mem>>) src(%dma_wait3A_35 : memref<80x128xi32, #tpu.memory_space<hbm>>) dst(%arg5 : memref<80x128xi32, #tpu.memory_space<vmem>>)
      tpu.yield
    }) : () -> ()
    %barrier3A = arith.constant 0 : index
    tpu.barrier barrier_id(%barrier3A)
    %scan3A_18 = arith.constant 0 : i32
    %scan3A_19 = arith.constant 0 : i32
    %scan3A_20 = arith.constant 10 : i32
    %scan3A_21 = arith.addi %scan3A_19, %scan3A_20 : i32
    %scan3A_22 = arith.constant 1 : i32
    %scan3A_23 = scf.for %scan3A_30 = %scan3A_19 to %scan3A_21 step %scan3A_22 iter_args(%scan3A_31 = %scan3A_18) -> (i32)  : i32 {
      %mul3A_32 = arith.constant 8 : i32
      %mul3A_33 = arith.muli %scan3A_30, %mul3A_32 : i32
      %add3A_34 = arith.constant 0 : i32
      %add3A_35 = arith.addi %mul3A_33, %add3A_34 : i32
      %dma_start3A = arith.constant 0 : i32
      %dma_start3A_36 = tpu.memref_slice %arg5[%add3A_35, %dma_start3A] : memref<80x128xi32, #tpu.memory_space<vmem>> -> memref<1x128xi32, #tpu.memory_space<vmem>>
      %dma_start3A_37 = tpu.memref_squeeze %dma_start3A_36 : memref<1x128xi32, #tpu.memory_space<vmem>> -> memref<128xi32, #tpu.memory_space<vmem>>
      %dma_start3A_38 = arith.constant 0 : i32
      %dma_start3A_39 = tpu.memref_slice %arg4[%dma_start3A_38] : memref<10240xf32, #tpu.memory_space<vmem_shared>> -> memref<10240xf32, #tpu.memory_space<vmem_shared>>
      tpu.enqueue_indirect_dma source(%arg6 : memref<128xf32, #tpu.memory_space<vmem>>) target(%dma_start3A_39 : memref<10240xf32, #tpu.memory_space<vmem_shared>>) offsets(%dma_start3A_37 : memref<128xi32, #tpu.memory_space<vmem>>) semaphore(%arg8 : memref<!tpu.dma_semaphore, #tpu.memory_space<semaphore_mem>>) {add = true}
      %mul3A_40 = arith.constant 8 : i32
      %mul3A_41 = arith.muli %scan3A_30, %mul3A_40 : i32
      %add3A_42 = arith.constant 1 : i32
      %add3A_43 = arith.addi %mul3A_41, %add3A_42 : i32
      %dma_start3A_44 = arith.constant 0 : i32
      %dma_start3A_45 = tpu.memref_slice %arg5[%add3A_43, %dma_start3A_44] : memref<80x128xi32, #tpu.memory_space<vmem>> -> memref<1x128xi32, #tpu.memory_space<vmem>>
      %dma_start3A_46 = tpu.memref_squeeze %dma_start3A_45 : memref<1x128xi32, #tpu.memory_space<vmem>> -> memref<128xi32, #tpu.memory_space<vmem>>
      %dma_start3A_47 = arith.constant 0 : i32
      %dma_start3A_48 = tpu.memref_slice %arg4[%dma_start3A_47] : memref<10240xf32, #tpu.memory_space<vmem_shared>> -> memref<10240xf32, #tpu.memory_space<vmem_shared>>
      tpu.enqueue_indirect_dma source(%arg6 : memref<128xf32, #tpu.memory_space<vmem>>) target(%dma_start3A_48 : memref<10240xf32, #tpu.memory_space<vmem_shared>>) offsets(%dma_start3A_46 : memref<128xi32, #tpu.memory_space<vmem>>) semaphore(%arg8 : memref<!tpu.dma_semaphore, #tpu.memory_space<semaphore_mem>>) {add = true}
      %mul3A_49 = arith.constant 8 : i32
      %mul3A_50 = arith.muli %scan3A_30, %mul3A_49 : i32
      %add3A_51 = arith.constant 2 : i32
      %add3A_52 = arith.addi %mul3A_50, %add3A_51 : i32
      %dma_start3A_53 = arith.constant 0 : i32
      %dma_start3A_54 = tpu.memref_slice %arg5[%add3A_52, %dma_start3A_53] : memref<80x128xi32, #tpu.memory_space<vmem>> -> memref<1x128xi32, #tpu.memory_space<vmem>>
      %dma_start3A_55 = tpu.memref_squeeze %dma_start3A_54 : memref<1x128xi32, #tpu.memory_space<vmem>> -> memref<128xi32, #tpu.memory_space<vmem>>
      %dma_start3A_56 = arith.constant 0 : i32
      %dma_start3A_57 = tpu.memref_slice %arg4[%dma_start3A_56] : memref<10240xf32, #tpu.memory_space<vmem_shared>> -> memref<10240xf32, #tpu.memory_space<vmem_shared>>
      tpu.enqueue_indirect_dma source(%arg6 : memref<128xf32, #tpu.memory_space<vmem>>) target(%dma_start3A_57 : memref<10240xf32, #tpu.memory_space<vmem_shared>>) offsets(%dma_start3A_55 : memref<128xi32, #tpu.memory_space<vmem>>) semaphore(%arg8 : memref<!tpu.dma_semaphore, #tpu.memory_space<semaphore_mem>>) {add = true}
      %mul3A_58 = arith.constant 8 : i32
      %mul3A_59 = arith.muli %scan3A_30, %mul3A_58 : i32
      %add3A_60 = arith.constant 3 : i32
      %add3A_61 = arith.addi %mul3A_59, %add3A_60 : i32
      %dma_start3A_62 = arith.constant 0 : i32
      %dma_start3A_63 = tpu.memref_slice %arg5[%add3A_61, %dma_start3A_62] : memref<80x128xi32, #tpu.memory_space<vmem>> -> memref<1x128xi32, #tpu.memory_space<vmem>>
      %dma_start3A_64 = tpu.memref_squeeze %dma_start3A_63 : memref<1x128xi32, #tpu.memory_space<vmem>> -> memref<128xi32, #tpu.memory_space<vmem>>
      %dma_start3A_65 = arith.constant 0 : i32
      %dma_start3A_66 = tpu.memref_slice %arg4[%dma_start3A_65] : memref<10240xf32, #tpu.memory_space<vmem_shared>> -> memref<10240xf32, #tpu.memory_space<vmem_shared>>
      tpu.enqueue_indirect_dma source(%arg6 : memref<128xf32, #tpu.memory_space<vmem>>) target(%dma_start3A_66 : memref<10240xf32, #tpu.memory_space<vmem_shared>>) offsets(%dma_start3A_64 : memref<128xi32, #tpu.memory_space<vmem>>) semaphore(%arg8 : memref<!tpu.dma_semaphore, #tpu.memory_space<semaphore_mem>>) {add = true}
      %mul3A_67 = arith.constant 8 : i32
      %mul3A_68 = arith.muli %scan3A_30, %mul3A_67 : i32
      %add3A_69 = arith.constant 4 : i32
      %add3A_70 = arith.addi %mul3A_68, %add3A_69 : i32
      %dma_start3A_71 = arith.constant 0 : i32
      %dma_start3A_72 = tpu.memref_slice %arg5[%add3A_70, %dma_start3A_71] : memref<80x128xi32, #tpu.memory_space<vmem>> -> memref<1x128xi32, #tpu.memory_space<vmem>>
      %dma_start3A_73 = tpu.memref_squeeze %dma_start3A_72 : memref<1x128xi32, #tpu.memory_space<vmem>> -> memref<128xi32, #tpu.memory_space<vmem>>
      %dma_start3A_74 = arith.constant 0 : i32
      %dma_start3A_75 = tpu.memref_slice %arg4[%dma_start3A_74] : memref<10240xf32, #tpu.memory_space<vmem_shared>> -> memref<10240xf32, #tpu.memory_space<vmem_shared>>
      tpu.enqueue_indirect_dma source(%arg6 : memref<128xf32, #tpu.memory_space<vmem>>) target(%dma_start3A_75 : memref<10240xf32, #tpu.memory_space<vmem_shared>>) offsets(%dma_start3A_73 : memref<128xi32, #tpu.memory_space<vmem>>) semaphore(%arg8 : memref<!tpu.dma_semaphore, #tpu.memory_space<semaphore_mem>>) {add = true}
      %mul3A_76 = arith.constant 8 : i32
      %mul3A_77 = arith.muli %scan3A_30, %mul3A_76 : i32
      %add3A_78 = arith.constant 5 : i32
      %add3A_79 = arith.addi %mul3A_77, %add3A_78 : i32
      %dma_start3A_80 = arith.constant 0 : i32
      %dma_start3A_81 = tpu.memref_slice %arg5[%add3A_79, %dma_start3A_80] : memref<80x128xi32, #tpu.memory_space<vmem>> -> memref<1x128xi32, #tpu.memory_space<vmem>>
      %dma_start3A_82 = tpu.memref_squeeze %dma_start3A_81 : memref<1x128xi32, #tpu.memory_space<vmem>> -> memref<128xi32, #tpu.memory_space<vmem>>
      %dma_start3A_83 = arith.constant 0 : i32
      %dma_start3A_84 = tpu.memref_slice %arg4[%dma_start3A_83] : memref<10240xf32, #tpu.memory_space<vmem_shared>> -> memref<10240xf32, #tpu.memory_space<vmem_shared>>
      tpu.enqueue_indirect_dma source(%arg6 : memref<128xf32, #tpu.memory_space<vmem>>) target(%dma_start3A_84 : memref<10240xf32, #tpu.memory_space<vmem_shared>>) offsets(%dma_start3A_82 : memref<128xi32, #tpu.memory_space<vmem>>) semaphore(%arg8 : memref<!tpu.dma_semaphore, #tpu.memory_space<semaphore_mem>>) {add = true}
      %mul3A_85 = arith.constant 8 : i32
      %mul3A_86 = arith.muli %scan3A_30, %mul3A_85 : i32
      %add3A_87 = arith.constant 6 : i32
      %add3A_88 = arith.addi %mul3A_86, %add3A_87 : i32
      %dma_start3A_89 = arith.constant 0 : i32
      %dma_start3A_90 = tpu.memref_slice %arg5[%add3A_88, %dma_start3A_89] : memref<80x128xi32, #tpu.memory_space<vmem>> -> memref<1x128xi32, #tpu.memory_space<vmem>>
      %dma_start3A_91 = tpu.memref_squeeze %dma_start3A_90 : memref<1x128xi32, #tpu.memory_space<vmem>> -> memref<128xi32, #tpu.memory_space<vmem>>
      %dma_start3A_92 = arith.constant 0 : i32
      %dma_start3A_93 = tpu.memref_slice %arg4[%dma_start3A_92] : memref<10240xf32, #tpu.memory_space<vmem_shared>> -> memref<10240xf32, #tpu.memory_space<vmem_shared>>
      tpu.enqueue_indirect_dma source(%arg6 : memref<128xf32, #tpu.memory_space<vmem>>) target(%dma_start3A_93 : memref<10240xf32, #tpu.memory_space<vmem_shared>>) offsets(%dma_start3A_91 : memref<128xi32, #tpu.memory_space<vmem>>) semaphore(%arg8 : memref<!tpu.dma_semaphore, #tpu.memory_space<semaphore_mem>>) {add = true}
      %mul3A_94 = arith.constant 8 : i32
      %mul3A_95 = arith.muli %scan3A_30, %mul3A_94 : i32
      %add3A_96 = arith.constant 7 : i32
      %add3A_97 = arith.addi %mul3A_95, %add3A_96 : i32
      %dma_start3A_98 = arith.constant 0 : i32
      %dma_start3A_99 = tpu.memref_slice %arg5[%add3A_97, %dma_start3A_98] : memref<80x128xi32, #tpu.memory_space<vmem>> -> memref<1x128xi32, #tpu.memory_space<vmem>>
      %dma_start3A_100 = tpu.memref_squeeze %dma_start3A_99 : memref<1x128xi32, #tpu.memory_space<vmem>> -> memref<128xi32, #tpu.memory_space<vmem>>
      %dma_start3A_101 = arith.constant 0 : i32
      %dma_start3A_102 = tpu.memref_slice %arg4[%dma_start3A_101] : memref<10240xf32, #tpu.memory_space<vmem_shared>> -> memref<10240xf32, #tpu.memory_space<vmem_shared>>
      tpu.enqueue_indirect_dma source(%arg6 : memref<128xf32, #tpu.memory_space<vmem>>) target(%dma_start3A_102 : memref<10240xf32, #tpu.memory_space<vmem_shared>>) offsets(%dma_start3A_100 : memref<128xi32, #tpu.memory_space<vmem>>) semaphore(%arg8 : memref<!tpu.dma_semaphore, #tpu.memory_space<semaphore_mem>>) {add = true}
      %mul3A_103 = arith.constant 8 : i32
      %mul3A_104 = arith.muli %scan3A_30, %mul3A_103 : i32
      %add3A_105 = arith.constant 0 : i32
      %add3A_106 = arith.addi %mul3A_104, %add3A_105 : i32
      %dma_wait3A = arith.constant 0 : i32
      %dma_wait3A_107 = tpu.memref_slice %arg5[%add3A_106, %dma_wait3A] : memref<80x128xi32, #tpu.memory_space<vmem>> -> memref<1x128xi32, #tpu.memory_space<vmem>>
      %dma_wait3A_108 = tpu.memref_squeeze %dma_wait3A_107 : memref<1x128xi32, #tpu.memory_space<vmem>> -> memref<128xi32, #tpu.memory_space<vmem>>
      %dma_wait3A_109 = arith.constant 0 : i32
      %dma_wait3A_110 = tpu.memref_slice %arg4[%dma_wait3A_109] : memref<10240xf32, #tpu.memory_space<vmem_shared>> -> memref<10240xf32, #tpu.memory_space<vmem_shared>>
      tpu.wait_indirect_dma semaphore(%arg8 : memref<!tpu.dma_semaphore, #tpu.memory_space<semaphore_mem>>) src(%arg6 : memref<128xf32, #tpu.memory_space<vmem>>) dst(%dma_wait3A_110 : memref<10240xf32, #tpu.memory_space<vmem_shared>>)
      %mul3A_111 = arith.constant 8 : i32
      %mul3A_112 = arith.muli %scan3A_30, %mul3A_111 : i32
      %add3A_113 = arith.constant 1 : i32
      %add3A_114 = arith.addi %mul3A_112, %add3A_113 : i32
      %dma_wait3A_115 = arith.constant 0 : i32
      %dma_wait3A_116 = tpu.memref_slice %arg5[%add3A_114, %dma_wait3A_115] : memref<80x128xi32, #tpu.memory_space<vmem>> -> memref<1x128xi32, #tpu.memory_space<vmem>>
      %dma_wait3A_117 = tpu.memref_squeeze %dma_wait3A_116 : memref<1x128xi32, #tpu.memory_space<vmem>> -> memref<128xi32, #tpu.memory_space<vmem>>
      %dma_wait3A_118 = arith.constant 0 : i32
      %dma_wait3A_119 = tpu.memref_slice %arg4[%dma_wait3A_118] : memref<10240xf32, #tpu.memory_space<vmem_shared>> -> memref<10240xf32, #tpu.memory_space<vmem_shared>>
      tpu.wait_indirect_dma semaphore(%arg8 : memref<!tpu.dma_semaphore, #tpu.memory_space<semaphore_mem>>) src(%arg6 : memref<128xf32, #tpu.memory_space<vmem>>) dst(%dma_wait3A_119 : memref<10240xf32, #tpu.memory_space<vmem_shared>>)
      %mul3A_120 = arith.constant 8 : i32
      %mul3A_121 = arith.muli %scan3A_30, %mul3A_120 : i32
      %add3A_122 = arith.constant 2 : i32
      %add3A_123 = arith.addi %mul3A_121, %add3A_122 : i32
      %dma_wait3A_124 = arith.constant 0 : i32
      %dma_wait3A_125 = tpu.memref_slice %arg5[%add3A_123, %dma_wait3A_124] : memref<80x128xi32, #tpu.memory_space<vmem>> -> memref<1x128xi32, #tpu.memory_space<vmem>>
      %dma_wait3A_126 = tpu.memref_squeeze %dma_wait3A_125 : memref<1x128xi32, #tpu.memory_space<vmem>> -> memref<128xi32, #tpu.memory_space<vmem>>
      %dma_wait3A_127 = arith.constant 0 : i32
      %dma_wait3A_128 = tpu.memref_slice %arg4[%dma_wait3A_127] : memref<10240xf32, #tpu.memory_space<vmem_shared>> -> memref<10240xf32, #tpu.memory_space<vmem_shared>>
      tpu.wait_indirect_dma semaphore(%arg8 : memref<!tpu.dma_semaphore, #tpu.memory_space<semaphore_mem>>) src(%arg6 : memref<128xf32, #tpu.memory_space<vmem>>) dst(%dma_wait3A_128 : memref<10240xf32, #tpu.memory_space<vmem_shared>>)
      %mul3A_129 = arith.constant 8 : i32
      %mul3A_130 = arith.muli %scan3A_30, %mul3A_129 : i32
      %add3A_131 = arith.constant 3 : i32
      %add3A_132 = arith.addi %mul3A_130, %add3A_131 : i32
      %dma_wait3A_133 = arith.constant 0 : i32
      %dma_wait3A_134 = tpu.memref_slice %arg5[%add3A_132, %dma_wait3A_133] : memref<80x128xi32, #tpu.memory_space<vmem>> -> memref<1x128xi32, #tpu.memory_space<vmem>>
      %dma_wait3A_135 = tpu.memref_squeeze %dma_wait3A_134 : memref<1x128xi32, #tpu.memory_space<vmem>> -> memref<128xi32, #tpu.memory_space<vmem>>
      %dma_wait3A_136 = arith.constant 0 : i32
      %dma_wait3A_137 = tpu.memref_slice %arg4[%dma_wait3A_136] : memref<10240xf32, #tpu.memory_space<vmem_shared>> -> memref<10240xf32, #tpu.memory_space<vmem_shared>>
      tpu.wait_indirect_dma semaphore(%arg8 : memref<!tpu.dma_semaphore, #tpu.memory_space<semaphore_mem>>) src(%arg6 : memref<128xf32, #tpu.memory_space<vmem>>) dst(%dma_wait3A_137 : memref<10240xf32, #tpu.memory_space<vmem_shared>>)
      %mul3A_138 = arith.constant 8 : i32
      %mul3A_139 = arith.muli %scan3A_30, %mul3A_138 : i32
      %add3A_140 = arith.constant 4 : i32
      %add3A_141 = arith.addi %mul3A_139, %add3A_140 : i32
      %dma_wait3A_142 = arith.constant 0 : i32
      %dma_wait3A_143 = tpu.memref_slice %arg5[%add3A_141, %dma_wait3A_142] : memref<80x128xi32, #tpu.memory_space<vmem>> -> memref<1x128xi32, #tpu.memory_space<vmem>>
      %dma_wait3A_144 = tpu.memref_squeeze %dma_wait3A_143 : memref<1x128xi32, #tpu.memory_space<vmem>> -> memref<128xi32, #tpu.memory_space<vmem>>
      %dma_wait3A_145 = arith.constant 0 : i32
      %dma_wait3A_146 = tpu.memref_slice %arg4[%dma_wait3A_145] : memref<10240xf32, #tpu.memory_space<vmem_shared>> -> memref<10240xf32, #tpu.memory_space<vmem_shared>>
      tpu.wait_indirect_dma semaphore(%arg8 : memref<!tpu.dma_semaphore, #tpu.memory_space<semaphore_mem>>) src(%arg6 : memref<128xf32, #tpu.memory_space<vmem>>) dst(%dma_wait3A_146 : memref<10240xf32, #tpu.memory_space<vmem_shared>>)
      %mul3A_147 = arith.constant 8 : i32
      %mul3A_148 = arith.muli %scan3A_30, %mul3A_147 : i32
      %add3A_149 = arith.constant 5 : i32
      %add3A_150 = arith.addi %mul3A_148, %add3A_149 : i32
      %dma_wait3A_151 = arith.constant 0 : i32
      %dma_wait3A_152 = tpu.memref_slice %arg5[%add3A_150, %dma_wait3A_151] : memref<80x128xi32, #tpu.memory_space<vmem>> -> memref<1x128xi32, #tpu.memory_space<vmem>>
      %dma_wait3A_153 = tpu.memref_squeeze %dma_wait3A_152 : memref<1x128xi32, #tpu.memory_space<vmem>> -> memref<128xi32, #tpu.memory_space<vmem>>
      %dma_wait3A_154 = arith.constant 0 : i32
      %dma_wait3A_155 = tpu.memref_slice %arg4[%dma_wait3A_154] : memref<10240xf32, #tpu.memory_space<vmem_shared>> -> memref<10240xf32, #tpu.memory_space<vmem_shared>>
      tpu.wait_indirect_dma semaphore(%arg8 : memref<!tpu.dma_semaphore, #tpu.memory_space<semaphore_mem>>) src(%arg6 : memref<128xf32, #tpu.memory_space<vmem>>) dst(%dma_wait3A_155 : memref<10240xf32, #tpu.memory_space<vmem_shared>>)
      %mul3A_156 = arith.constant 8 : i32
      %mul3A_157 = arith.muli %scan3A_30, %mul3A_156 : i32
      %add3A_158 = arith.constant 6 : i32
      %add3A_159 = arith.addi %mul3A_157, %add3A_158 : i32
      %dma_wait3A_160 = arith.constant 0 : i32
      %dma_wait3A_161 = tpu.memref_slice %arg5[%add3A_159, %dma_wait3A_160] : memref<80x128xi32, #tpu.memory_space<vmem>> -> memref<1x128xi32, #tpu.memory_space<vmem>>
      %dma_wait3A_162 = tpu.memref_squeeze %dma_wait3A_161 : memref<1x128xi32, #tpu.memory_space<vmem>> -> memref<128xi32, #tpu.memory_space<vmem>>
      %dma_wait3A_163 = arith.constant 0 : i32
      %dma_wait3A_164 = tpu.memref_slice %arg4[%dma_wait3A_163] : memref<10240xf32, #tpu.memory_space<vmem_shared>> -> memref<10240xf32, #tpu.memory_space<vmem_shared>>
      tpu.wait_indirect_dma semaphore(%arg8 : memref<!tpu.dma_semaphore, #tpu.memory_space<semaphore_mem>>) src(%arg6 : memref<128xf32, #tpu.memory_space<vmem>>) dst(%dma_wait3A_164 : memref<10240xf32, #tpu.memory_space<vmem_shared>>)
      %mul3A_165 = arith.constant 8 : i32
      %mul3A_166 = arith.muli %scan3A_30, %mul3A_165 : i32
      %add3A_167 = arith.constant 7 : i32
      %add3A_168 = arith.addi %mul3A_166, %add3A_167 : i32
      %dma_wait3A_169 = arith.constant 0 : i32
      %dma_wait3A_170 = tpu.memref_slice %arg5[%add3A_168, %dma_wait3A_169] : memref<80x128xi32, #tpu.memory_space<vmem>> -> memref<1x128xi32, #tpu.memory_space<vmem>>
      %dma_wait3A_171 = tpu.memref_squeeze %dma_wait3A_170 : memref<1x128xi32, #tpu.memory_space<vmem>> -> memref<128xi32, #tpu.memory_space<vmem>>
      %dma_wait3A_172 = arith.constant 0 : i32
      %dma_wait3A_173 = tpu.memref_slice %arg4[%dma_wait3A_172] : memref<10240xf32, #tpu.memory_space<vmem_shared>> -> memref<10240xf32, #tpu.memory_space<vmem_shared>>
      tpu.wait_indirect_dma semaphore(%arg8 : memref<!tpu.dma_semaphore, #tpu.memory_space<semaphore_mem>>) src(%arg6 : memref<128xf32, #tpu.memory_space<vmem>>) dst(%dma_wait3A_173 : memref<10240xf32, #tpu.memory_space<vmem_shared>>)
      %scan3A_174 = arith.constant 0 : i32
      scf.yield %scan3A_174 : i32
    }
    %scan3A_24 = arith.constant 10 : i32
    %barrier3A_25 = arith.constant 0 : index
    tpu.barrier barrier_id(%barrier3A_25)
    %mul3A_26 = arith.constant 640 : i32
    %mul3A_27 = arith.muli %arg1, %mul3A_26 : i32
    %mul3A_28 = arith.constant 640 : i32
    %mul3A_29 = arith.muli %arg1, %mul3A_28 : i32
    "tpu.region"() ({
      %run_scoped3A = tpu.sem_alloc : memref<!tpu.dma_semaphore, #tpu.memory_space<semaphore_mem>>
      %dma_start3A = tpu.memref_slice %arg3[%arg0, %mul3A_29] : memref<2x10240xf32, #tpu.memory_space<hbm>> -> memref<1x640xf32, #tpu.memory_space<hbm>>
      %dma_start3A_30 = tpu.memref_squeeze %dma_start3A : memref<1x640xf32, #tpu.memory_space<hbm>> -> memref<640xf32, #tpu.memory_space<hbm>>
      %dma_start3A_31 = tpu.memref_slice %arg4[%mul3A_27] : memref<10240xf32, #tpu.memory_space<vmem_shared>> -> memref<640xf32, #tpu.memory_space<vmem_shared>>
      tpu.enqueue_dma source(%dma_start3A_31 : memref<640xf32, #tpu.memory_space<vmem_shared>>) target(%dma_start3A_30 : memref<640xf32, #tpu.memory_space<hbm>>) target_semaphore(%run_scoped3A : memref<!tpu.dma_semaphore, #tpu.memory_space<semaphore_mem>>)
      %dma_wait3A = tpu.memref_slice %arg3[%arg0, %mul3A_29] : memref<2x10240xf32, #tpu.memory_space<hbm>> -> memref<1x640xf32, #tpu.memory_space<hbm>>
      %dma_wait3A_32 = tpu.memref_squeeze %dma_wait3A : memref<1x640xf32, #tpu.memory_space<hbm>> -> memref<640xf32, #tpu.memory_space<hbm>>
      %dma_wait3A_33 = tpu.memref_slice %arg4[%mul3A_27] : memref<10240xf32, #tpu.memory_space<vmem_shared>> -> memref<640xf32, #tpu.memory_space<vmem_shared>>
      tpu.wait_dma2 semaphore(%run_scoped3A : memref<!tpu.dma_semaphore, #tpu.memory_space<semaphore_mem>>) src(%dma_wait3A_33 : memref<640xf32, #tpu.memory_space<vmem_shared>>) dst(%dma_wait3A_32 : memref<640xf32, #tpu.memory_space<hbm>>)
      tpu.yield
    }) : () -> ()
    return
  }
}

#map = affine_map<(d0, d1) -> (0, 0)>
#map1 = affine_map<(d0, d1) -> (0, 0, 0)>
module attributes {stable_mosaic.version = 14 : i64} {
  func.func @_scatter_kernel(%arg0: i32, %arg1: i32, %arg2: memref<10240x128xf32, #tpu.memory_space<hbm>>, %arg3: memref<2560x128xi32, #tpu.memory_space<hbm>>, %arg4: memref<2560x128xi32, #tpu.memory_space<hbm>>, %arg5: memref<128x128xf32, #tpu.memory_space<hbm>>, %arg6: memref<2x10240x128xf32, #tpu.memory_space<hbm>>, %arg7: memref<10240x128xf32, #tpu.memory_space<vmem_shared>>, %arg8: memref<8x128xi32, #tpu.memory_space<vmem>>, %arg9: memref<8x128xi32, #tpu.memory_space<vmem>>, %arg10: memref<128x128xf32, #tpu.memory_space<vmem>>, %arg11: memref<128x128xf32, #tpu.memory_space<vmem>>, %arg12: memref<!tpu.dma_semaphore, #tpu.memory_space<semaphore_mem>>, %arg13: memref<!tpu.dma_semaphore, #tpu.memory_space<semaphore_mem>>) attributes {dimension_semantics = [#tpu.dimension_semantics<core_parallel>, #tpu.dimension_semantics<subcore_parallel>], iteration_bounds = array<i64: 2, 16>, scalar_prefetch = 0 : i64, scratch_operands = 7 : i64, tpu.core_type = #tpu.core_type<sc_vector_subcore>, window_params = [{transform_indices = #map}, {transform_indices = #map}, {transform_indices = #map}, {transform_indices = #map}, {transform_indices = #map1}]} {
    %mul3A = arith.constant 16 : i32
    %mul3A_0 = arith.muli %arg0, %mul3A : i32
    %add3A = arith.addi %mul3A_0, %arg1 : i32
    %eq3A = arith.constant 0 : i32
    %eq3A_1 = arith.cmpi eq, %arg0, %eq3A : i32
    %convert_element_type3A = arith.extui %eq3A_1 : i1 to i32
    %cond3A = arith.constant 0 : i32
    %cond3A_2 = arith.cmpi ne, %convert_element_type3A, %cond3A : i32
    scf.if %cond3A_2 {
      %mul3A_18 = arith.constant 640 : i32
      %mul3A_19 = arith.muli %arg1, %mul3A_18 : i32
      %mul3A_20 = arith.constant 640 : i32
      %mul3A_21 = arith.muli %arg1, %mul3A_20 : i32
      "tpu.region"() ({
        %run_scoped3A = tpu.sem_alloc : memref<!tpu.dma_semaphore, #tpu.memory_space<semaphore_mem>>
        %dma_start3A = arith.constant 0 : i32
        %dma_start3A_22 = tpu.memref_slice %arg7[%mul3A_21, %dma_start3A] : memref<10240x128xf32, #tpu.memory_space<vmem_shared>> -> memref<640x128xf32, #tpu.memory_space<vmem_shared>>
        %dma_start3A_23 = arith.constant 0 : i32
        %dma_start3A_24 = tpu.memref_slice %arg2[%mul3A_19, %dma_start3A_23] : memref<10240x128xf32, #tpu.memory_space<hbm>> -> memref<640x128xf32, #tpu.memory_space<hbm>>
        tpu.enqueue_dma source(%dma_start3A_24 : memref<640x128xf32, #tpu.memory_space<hbm>>) target(%dma_start3A_22 : memref<640x128xf32, #tpu.memory_space<vmem_shared>>) target_semaphore(%run_scoped3A : memref<!tpu.dma_semaphore, #tpu.memory_space<semaphore_mem>>)
        %dma_wait3A = arith.constant 0 : i32
        %dma_wait3A_25 = tpu.memref_slice %arg7[%mul3A_21, %dma_wait3A] : memref<10240x128xf32, #tpu.memory_space<vmem_shared>> -> memref<640x128xf32, #tpu.memory_space<vmem_shared>>
        %dma_wait3A_26 = arith.constant 0 : i32
        %dma_wait3A_27 = tpu.memref_slice %arg2[%mul3A_19, %dma_wait3A_26] : memref<10240x128xf32, #tpu.memory_space<hbm>> -> memref<640x128xf32, #tpu.memory_space<hbm>>
        tpu.wait_dma2 semaphore(%run_scoped3A : memref<!tpu.dma_semaphore, #tpu.memory_space<semaphore_mem>>) src(%dma_wait3A_27 : memref<640x128xf32, #tpu.memory_space<hbm>>) dst(%dma_wait3A_25 : memref<640x128xf32, #tpu.memory_space<vmem_shared>>)
        tpu.yield
      }) : () -> ()
    } else {
    }
    %ne3A = arith.constant 0 : i32
    %ne3A_3 = arith.cmpi ne, %arg0, %ne3A : i32
    %convert_element_type3A_4 = arith.extui %ne3A_3 : i1 to i32
    %cond3A_5 = arith.constant 0 : i32
    %cond3A_6 = arith.cmpi ne, %convert_element_type3A_4, %cond3A_5 : i32
    scf.if %cond3A_6 {
      %mul3A_18 = arith.constant 640 : i32
      %mul3A_19 = arith.muli %arg1, %mul3A_18 : i32
      %add3A_20 = arith.constant 0 : i32
      %add3A_21 = arith.addi %mul3A_19, %add3A_20 : i32
      "tpu.region"() ({
        %run_scoped3A = tpu.sem_alloc : memref<!tpu.dma_semaphore, #tpu.memory_space<semaphore_mem>>
        %dma_start3A = arith.constant 0 : i32
        %dma_start3A_38 = tpu.memref_slice %arg7[%add3A_21, %dma_start3A] : memref<10240x128xf32, #tpu.memory_space<vmem_shared>> -> memref<128x128xf32, #tpu.memory_space<vmem_shared>>
        tpu.enqueue_dma source(%arg5 : memref<128x128xf32, #tpu.memory_space<hbm>>) target(%dma_start3A_38 : memref<128x128xf32, #tpu.memory_space<vmem_shared>>) target_semaphore(%run_scoped3A : memref<!tpu.dma_semaphore, #tpu.memory_space<semaphore_mem>>)
        %dma_wait3A = arith.constant 0 : i32
        %dma_wait3A_39 = tpu.memref_slice %arg7[%add3A_21, %dma_wait3A] : memref<10240x128xf32, #tpu.memory_space<vmem_shared>> -> memref<128x128xf32, #tpu.memory_space<vmem_shared>>
        tpu.wait_dma2 semaphore(%run_scoped3A : memref<!tpu.dma_semaphore, #tpu.memory_space<semaphore_mem>>) src(%arg5 : memref<128x128xf32, #tpu.memory_space<hbm>>) dst(%dma_wait3A_39 : memref<128x128xf32, #tpu.memory_space<vmem_shared>>)
        tpu.yield
      }) : () -> ()
      %mul3A_22 = arith.constant 640 : i32
      %mul3A_23 = arith.muli %arg1, %mul3A_22 : i32
      %add3A_24 = arith.constant 128 : i32
      %add3A_25 = arith.addi %mul3A_23, %add3A_24 : i32
      "tpu.region"() ({
        %run_scoped3A = tpu.sem_alloc : memref<!tpu.dma_semaphore, #tpu.memory_space<semaphore_mem>>
        %dma_start3A = arith.constant 0 : i32
        %dma_start3A_38 = tpu.memref_slice %arg7[%add3A_25, %dma_start3A] : memref<10240x128xf32, #tpu.memory_space<vmem_shared>> -> memref<128x128xf32, #tpu.memory_space<vmem_shared>>
        tpu.enqueue_dma source(%arg5 : memref<128x128xf32, #tpu.memory_space<hbm>>) target(%dma_start3A_38 : memref<128x128xf32, #tpu.memory_space<vmem_shared>>) target_semaphore(%run_scoped3A : memref<!tpu.dma_semaphore, #tpu.memory_space<semaphore_mem>>)
        %dma_wait3A = arith.constant 0 : i32
        %dma_wait3A_39 = tpu.memref_slice %arg7[%add3A_25, %dma_wait3A] : memref<10240x128xf32, #tpu.memory_space<vmem_shared>> -> memref<128x128xf32, #tpu.memory_space<vmem_shared>>
        tpu.wait_dma2 semaphore(%run_scoped3A : memref<!tpu.dma_semaphore, #tpu.memory_space<semaphore_mem>>) src(%arg5 : memref<128x128xf32, #tpu.memory_space<hbm>>) dst(%dma_wait3A_39 : memref<128x128xf32, #tpu.memory_space<vmem_shared>>)
        tpu.yield
      }) : () -> ()
      %mul3A_26 = arith.constant 640 : i32
      %mul3A_27 = arith.muli %arg1, %mul3A_26 : i32
      %add3A_28 = arith.constant 256 : i32
      %add3A_29 = arith.addi %mul3A_27, %add3A_28 : i32
      "tpu.region"() ({
        %run_scoped3A = tpu.sem_alloc : memref<!tpu.dma_semaphore, #tpu.memory_space<semaphore_mem>>
        %dma_start3A = arith.constant 0 : i32
        %dma_start3A_38 = tpu.memref_slice %arg7[%add3A_29, %dma_start3A] : memref<10240x128xf32, #tpu.memory_space<vmem_shared>> -> memref<128x128xf32, #tpu.memory_space<vmem_shared>>
        tpu.enqueue_dma source(%arg5 : memref<128x128xf32, #tpu.memory_space<hbm>>) target(%dma_start3A_38 : memref<128x128xf32, #tpu.memory_space<vmem_shared>>) target_semaphore(%run_scoped3A : memref<!tpu.dma_semaphore, #tpu.memory_space<semaphore_mem>>)
        %dma_wait3A = arith.constant 0 : i32
        %dma_wait3A_39 = tpu.memref_slice %arg7[%add3A_29, %dma_wait3A] : memref<10240x128xf32, #tpu.memory_space<vmem_shared>> -> memref<128x128xf32, #tpu.memory_space<vmem_shared>>
        tpu.wait_dma2 semaphore(%run_scoped3A : memref<!tpu.dma_semaphore, #tpu.memory_space<semaphore_mem>>) src(%arg5 : memref<128x128xf32, #tpu.memory_space<hbm>>) dst(%dma_wait3A_39 : memref<128x128xf32, #tpu.memory_space<vmem_shared>>)
        tpu.yield
      }) : () -> ()
      %mul3A_30 = arith.constant 640 : i32
      %mul3A_31 = arith.muli %arg1, %mul3A_30 : i32
      %add3A_32 = arith.constant 384 : i32
      %add3A_33 = arith.addi %mul3A_31, %add3A_32 : i32
      "tpu.region"() ({
        %run_scoped3A = tpu.sem_alloc : memref<!tpu.dma_semaphore, #tpu.memory_space<semaphore_mem>>
        %dma_start3A = arith.constant 0 : i32
        %dma_start3A_38 = tpu.memref_slice %arg7[%add3A_33, %dma_start3A] : memref<10240x128xf32, #tpu.memory_space<vmem_shared>> -> memref<128x128xf32, #tpu.memory_space<vmem_shared>>
        tpu.enqueue_dma source(%arg5 : memref<128x128xf32, #tpu.memory_space<hbm>>) target(%dma_start3A_38 : memref<128x128xf32, #tpu.memory_space<vmem_shared>>) target_semaphore(%run_scoped3A : memref<!tpu.dma_semaphore, #tpu.memory_space<semaphore_mem>>)
        %dma_wait3A = arith.constant 0 : i32
        %dma_wait3A_39 = tpu.memref_slice %arg7[%add3A_33, %dma_wait3A] : memref<10240x128xf32, #tpu.memory_space<vmem_shared>> -> memref<128x128xf32, #tpu.memory_space<vmem_shared>>
        tpu.wait_dma2 semaphore(%run_scoped3A : memref<!tpu.dma_semaphore, #tpu.memory_space<semaphore_mem>>) src(%arg5 : memref<128x128xf32, #tpu.memory_space<hbm>>) dst(%dma_wait3A_39 : memref<128x128xf32, #tpu.memory_space<vmem_shared>>)
        tpu.yield
      }) : () -> ()
      %mul3A_34 = arith.constant 640 : i32
      %mul3A_35 = arith.muli %arg1, %mul3A_34 : i32
      %add3A_36 = arith.constant 512 : i32
      %add3A_37 = arith.addi %mul3A_35, %add3A_36 : i32
      "tpu.region"() ({
        %run_scoped3A = tpu.sem_alloc : memref<!tpu.dma_semaphore, #tpu.memory_space<semaphore_mem>>
        %dma_start3A = arith.constant 0 : i32
        %dma_start3A_38 = tpu.memref_slice %arg7[%add3A_37, %dma_start3A] : memref<10240x128xf32, #tpu.memory_space<vmem_shared>> -> memref<128x128xf32, #tpu.memory_space<vmem_shared>>
        tpu.enqueue_dma source(%arg5 : memref<128x128xf32, #tpu.memory_space<hbm>>) target(%dma_start3A_38 : memref<128x128xf32, #tpu.memory_space<vmem_shared>>) target_semaphore(%run_scoped3A : memref<!tpu.dma_semaphore, #tpu.memory_space<semaphore_mem>>)
        %dma_wait3A = arith.constant 0 : i32
        %dma_wait3A_39 = tpu.memref_slice %arg7[%add3A_37, %dma_wait3A] : memref<10240x128xf32, #tpu.memory_space<vmem_shared>> -> memref<128x128xf32, #tpu.memory_space<vmem_shared>>
        tpu.wait_dma2 semaphore(%run_scoped3A : memref<!tpu.dma_semaphore, #tpu.memory_space<semaphore_mem>>) src(%arg5 : memref<128x128xf32, #tpu.memory_space<hbm>>) dst(%dma_wait3A_39 : memref<128x128xf32, #tpu.memory_space<vmem_shared>>)
        tpu.yield
      }) : () -> ()
    } else {
    }
    %barrier3A = arith.constant 0 : index
    tpu.barrier barrier_id(%barrier3A)
    %scan3A = arith.constant 0 : i32
    %scan3A_7 = arith.constant 0 : i32
    %scan3A_8 = arith.constant 10 : i32
    %scan3A_9 = arith.addi %scan3A_7, %scan3A_8 : i32
    %scan3A_10 = arith.constant 1 : i32
    %scan3A_11 = scf.for %scan3A_18 = %scan3A_7 to %scan3A_9 step %scan3A_10 iter_args(%scan3A_19 = %scan3A) -> (i32)  : i32 {
      %mul3A_20 = arith.constant 80 : i32
      %mul3A_21 = arith.muli %add3A, %mul3A_20 : i32
      %mul3A_22 = arith.constant 8 : i32
      %mul3A_23 = arith.muli %scan3A_18, %mul3A_22 : i32
      %add3A_24 = arith.addi %mul3A_21, %mul3A_23 : i32
      "tpu.region"() ({
        %run_scoped3A_135 = tpu.sem_alloc : memref<!tpu.dma_semaphore, #tpu.memory_space<semaphore_mem>>
        %dma_start3A_136 = arith.constant 0 : i32
        %dma_start3A_137 = tpu.memref_slice %arg3[%add3A_24, %dma_start3A_136] : memref<2560x128xi32, #tpu.memory_space<hbm>> -> memref<8x128xi32, #tpu.memory_space<hbm>>
        %dma_start3A_138 = arith.constant 0 : i32
        %dma_start3A_139 = tpu.memref_slice %arg3[%add3A_24, %dma_start3A_138] : memref<2560x128xi32, #tpu.memory_space<hbm>> -> memref<8x128xi32, #tpu.memory_space<hbm>>
        tpu.enqueue_dma source(%dma_start3A_139 : memref<8x128xi32, #tpu.memory_space<hbm>>) target(%arg8 : memref<8x128xi32, #tpu.memory_space<vmem>>) target_semaphore(%run_scoped3A_135 : memref<!tpu.dma_semaphore, #tpu.memory_space<semaphore_mem>>)
        %dma_wait3A_140 = arith.constant 0 : i32
        %dma_wait3A_141 = tpu.memref_slice %arg3[%add3A_24, %dma_wait3A_140] : memref<2560x128xi32, #tpu.memory_space<hbm>> -> memref<8x128xi32, #tpu.memory_space<hbm>>
        %dma_wait3A_142 = arith.constant 0 : i32
        %dma_wait3A_143 = tpu.memref_slice %arg3[%add3A_24, %dma_wait3A_142] : memref<2560x128xi32, #tpu.memory_space<hbm>> -> memref<8x128xi32, #tpu.memory_space<hbm>>
        tpu.wait_dma2 semaphore(%run_scoped3A_135 : memref<!tpu.dma_semaphore, #tpu.memory_space<semaphore_mem>>) src(%dma_wait3A_143 : memref<8x128xi32, #tpu.memory_space<hbm>>) dst(%arg8 : memref<8x128xi32, #tpu.memory_space<vmem>>)
        tpu.yield
      }) : () -> ()
      "tpu.region"() ({
        %run_scoped3A_135 = tpu.sem_alloc : memref<!tpu.dma_semaphore, #tpu.memory_space<semaphore_mem>>
        %dma_start3A_136 = arith.constant 0 : i32
        %dma_start3A_137 = tpu.memref_slice %arg4[%add3A_24, %dma_start3A_136] : memref<2560x128xi32, #tpu.memory_space<hbm>> -> memref<8x128xi32, #tpu.memory_space<hbm>>
        %dma_start3A_138 = arith.constant 0 : i32
        %dma_start3A_139 = tpu.memref_slice %arg4[%add3A_24, %dma_start3A_138] : memref<2560x128xi32, #tpu.memory_space<hbm>> -> memref<8x128xi32, #tpu.memory_space<hbm>>
        tpu.enqueue_dma source(%dma_start3A_139 : memref<8x128xi32, #tpu.memory_space<hbm>>) target(%arg9 : memref<8x128xi32, #tpu.memory_space<vmem>>) target_semaphore(%run_scoped3A_135 : memref<!tpu.dma_semaphore, #tpu.memory_space<semaphore_mem>>)
        %dma_wait3A_140 = arith.constant 0 : i32
        %dma_wait3A_141 = tpu.memref_slice %arg4[%add3A_24, %dma_wait3A_140] : memref<2560x128xi32, #tpu.memory_space<hbm>> -> memref<8x128xi32, #tpu.memory_space<hbm>>
        %dma_wait3A_142 = arith.constant 0 : i32
        %dma_wait3A_143 = tpu.memref_slice %arg4[%add3A_24, %dma_wait3A_142] : memref<2560x128xi32, #tpu.memory_space<hbm>> -> memref<8x128xi32, #tpu.memory_space<hbm>>
        tpu.wait_dma2 semaphore(%run_scoped3A_135 : memref<!tpu.dma_semaphore, #tpu.memory_space<semaphore_mem>>) src(%dma_wait3A_143 : memref<8x128xi32, #tpu.memory_space<hbm>>) dst(%arg9 : memref<8x128xi32, #tpu.memory_space<vmem>>)
        tpu.yield
      }) : () -> ()
      %dma_start3A = arith.constant 0 : i32
      %dma_start3A_25 = arith.constant 0 : i32
      %dma_start3A_26 = tpu.memref_slice %arg8[%dma_start3A, %dma_start3A_25] : memref<8x128xi32, #tpu.memory_space<vmem>> -> memref<1x128xi32, #tpu.memory_space<vmem>>
      %dma_start3A_27 = tpu.memref_squeeze %dma_start3A_26 : memref<1x128xi32, #tpu.memory_space<vmem>> -> memref<128xi32, #tpu.memory_space<vmem>>
      %dma_start3A_28 = arith.constant 0 : i32
      %dma_start3A_29 = arith.constant 0 : i32
      %dma_start3A_30 = tpu.memref_slice %arg2[%dma_start3A_28, %dma_start3A_29] : memref<10240x128xf32, #tpu.memory_space<hbm>> -> memref<10240x128xf32, #tpu.memory_space<hbm>>
      tpu.enqueue_indirect_dma source(%dma_start3A_30 : memref<10240x128xf32, #tpu.memory_space<hbm>>) target(%arg10 : memref<128x128xf32, #tpu.memory_space<vmem>>) offsets(%dma_start3A_27 : memref<128xi32, #tpu.memory_space<vmem>>) semaphore(%arg12 : memref<!tpu.dma_semaphore, #tpu.memory_space<semaphore_mem>>)
      %dma_start3A_31 = arith.constant 1 : i32
      %dma_start3A_32 = arith.constant 0 : i32
      %dma_start3A_33 = tpu.memref_slice %arg8[%dma_start3A_31, %dma_start3A_32] : memref<8x128xi32, #tpu.memory_space<vmem>> -> memref<1x128xi32, #tpu.memory_space<vmem>>
      %dma_start3A_34 = tpu.memref_squeeze %dma_start3A_33 : memref<1x128xi32, #tpu.memory_space<vmem>> -> memref<128xi32, #tpu.memory_space<vmem>>
      %dma_start3A_35 = arith.constant 0 : i32
      %dma_start3A_36 = arith.constant 0 : i32
      %dma_start3A_37 = tpu.memref_slice %arg2[%dma_start3A_35, %dma_start3A_36] : memref<10240x128xf32, #tpu.memory_space<hbm>> -> memref<10240x128xf32, #tpu.memory_space<hbm>>
      tpu.enqueue_indirect_dma source(%dma_start3A_37 : memref<10240x128xf32, #tpu.memory_space<hbm>>) target(%arg11 : memref<128x128xf32, #tpu.memory_space<vmem>>) offsets(%dma_start3A_34 : memref<128xi32, #tpu.memory_space<vmem>>) semaphore(%arg13 : memref<!tpu.dma_semaphore, #tpu.memory_space<semaphore_mem>>)
      %dma_wait3A = arith.constant 0 : i32
      %dma_wait3A_38 = arith.constant 0 : i32
      %dma_wait3A_39 = tpu.memref_slice %arg2[%dma_wait3A, %dma_wait3A_38] : memref<10240x128xf32, #tpu.memory_space<hbm>> -> memref<128x128xf32, #tpu.memory_space<hbm>>
      %dma_wait3A_40 = arith.constant 0 : i32
      %dma_wait3A_41 = arith.constant 0 : i32
      %dma_wait3A_42 = tpu.memref_slice %arg2[%dma_wait3A_40, %dma_wait3A_41] : memref<10240x128xf32, #tpu.memory_space<hbm>> -> memref<128x128xf32, #tpu.memory_space<hbm>>
      tpu.wait_dma2 semaphore(%arg12 : memref<!tpu.dma_semaphore, #tpu.memory_space<semaphore_mem>>) src(%dma_wait3A_42 : memref<128x128xf32, #tpu.memory_space<hbm>>) dst(%arg10 : memref<128x128xf32, #tpu.memory_space<vmem>>)
      %run_scoped3A = arith.constant 0 : i32
      "tpu.region"() ({
        %run_scoped3A_135 = tpu.sem_alloc : memref<!tpu.dma_semaphore, #tpu.memory_space<semaphore_mem>>
        %dma_start3A_136 = arith.constant 0 : i32
        %dma_start3A_137 = tpu.memref_slice %arg9[%run_scoped3A, %dma_start3A_136] : memref<8x128xi32, #tpu.memory_space<vmem>> -> memref<1x128xi32, #tpu.memory_space<vmem>>
        %dma_start3A_138 = tpu.memref_squeeze %dma_start3A_137 : memref<1x128xi32, #tpu.memory_space<vmem>> -> memref<128xi32, #tpu.memory_space<vmem>>
        %dma_start3A_139 = arith.constant 0 : i32
        %dma_start3A_140 = arith.constant 0 : i32
        %dma_start3A_141 = tpu.memref_slice %arg7[%dma_start3A_139, %dma_start3A_140] : memref<10240x128xf32, #tpu.memory_space<vmem_shared>> -> memref<10240x128xf32, #tpu.memory_space<vmem_shared>>
        tpu.enqueue_indirect_dma source(%arg10 : memref<128x128xf32, #tpu.memory_space<vmem>>) target(%dma_start3A_141 : memref<10240x128xf32, #tpu.memory_space<vmem_shared>>) offsets(%dma_start3A_138 : memref<128xi32, #tpu.memory_space<vmem>>) semaphore(%run_scoped3A_135 : memref<!tpu.dma_semaphore, #tpu.memory_space<semaphore_mem>>) {add = true}
        %dma_wait3A_142 = arith.constant 0 : i32
        %dma_wait3A_143 = tpu.memref_slice %arg9[%run_scoped3A, %dma_wait3A_142] : memref<8x128xi32, #tpu.memory_space<vmem>> -> memref<1x128xi32, #tpu.memory_space<vmem>>
        %dma_wait3A_144 = tpu.memref_squeeze %dma_wait3A_143 : memref<1x128xi32, #tpu.memory_space<vmem>> -> memref<128xi32, #tpu.memory_space<vmem>>
        %dma_wait3A_145 = arith.constant 0 : i32
        %dma_wait3A_146 = arith.constant 0 : i32
        %dma_wait3A_147 = tpu.memref_slice %arg7[%dma_wait3A_145, %dma_wait3A_146] : memref<10240x128xf32, #tpu.memory_space<vmem_shared>> -> memref<10240x128xf32, #tpu.memory_space<vmem_shared>>
        tpu.wait_indirect_dma semaphore(%run_scoped3A_135 : memref<!tpu.dma_semaphore, #tpu.memory_space<semaphore_mem>>) src(%arg10 : memref<128x128xf32, #tpu.memory_space<vmem>>) dst(%dma_wait3A_147 : memref<10240x128xf32, #tpu.memory_space<vmem_shared>>)
        tpu.yield
      }) : () -> ()
      %dma_start3A_43 = arith.constant 2 : i32
      %dma_start3A_44 = arith.constant 0 : i32
      %dma_start3A_45 = tpu.memref_slice %arg8[%dma_start3A_43, %dma_start3A_44] : memref<8x128xi32, #tpu.memory_space<vmem>> -> memref<1x128xi32, #tpu.memory_space<vmem>>
      %dma_start3A_46 = tpu.memref_squeeze %dma_start3A_45 : memref<1x128xi32, #tpu.memory_space<vmem>> -> memref<128xi32, #tpu.memory_space<vmem>>
      %dma_start3A_47 = arith.constant 0 : i32
      %dma_start3A_48 = arith.constant 0 : i32
      %dma_start3A_49 = tpu.memref_slice %arg2[%dma_start3A_47, %dma_start3A_48] : memref<10240x128xf32, #tpu.memory_space<hbm>> -> memref<10240x128xf32, #tpu.memory_space<hbm>>
      tpu.enqueue_indirect_dma source(%dma_start3A_49 : memref<10240x128xf32, #tpu.memory_space<hbm>>) target(%arg10 : memref<128x128xf32, #tpu.memory_space<vmem>>) offsets(%dma_start3A_46 : memref<128xi32, #tpu.memory_space<vmem>>) semaphore(%arg12 : memref<!tpu.dma_semaphore, #tpu.memory_space<semaphore_mem>>)
      %dma_wait3A_50 = arith.constant 0 : i32
      %dma_wait3A_51 = arith.constant 0 : i32
      %dma_wait3A_52 = tpu.memref_slice %arg2[%dma_wait3A_50, %dma_wait3A_51] : memref<10240x128xf32, #tpu.memory_space<hbm>> -> memref<128x128xf32, #tpu.memory_space<hbm>>
      %dma_wait3A_53 = arith.constant 0 : i32
      %dma_wait3A_54 = arith.constant 0 : i32
      %dma_wait3A_55 = tpu.memref_slice %arg2[%dma_wait3A_53, %dma_wait3A_54] : memref<10240x128xf32, #tpu.memory_space<hbm>> -> memref<128x128xf32, #tpu.memory_space<hbm>>
      tpu.wait_dma2 semaphore(%arg13 : memref<!tpu.dma_semaphore, #tpu.memory_space<semaphore_mem>>) src(%dma_wait3A_55 : memref<128x128xf32, #tpu.memory_space<hbm>>) dst(%arg11 : memref<128x128xf32, #tpu.memory_space<vmem>>)
      %run_scoped3A_56 = arith.constant 1 : i32
      "tpu.region"() ({
        %run_scoped3A_135 = tpu.sem_alloc : memref<!tpu.dma_semaphore, #tpu.memory_space<semaphore_mem>>
        %dma_start3A_136 = arith.constant 0 : i32
        %dma_start3A_137 = tpu.memref_slice %arg9[%run_scoped3A_56, %dma_start3A_136] : memref<8x128xi32, #tpu.memory_space<vmem>> -> memref<1x128xi32, #tpu.memory_space<vmem>>
        %dma_start3A_138 = tpu.memref_squeeze %dma_start3A_137 : memref<1x128xi32, #tpu.memory_space<vmem>> -> memref<128xi32, #tpu.memory_space<vmem>>
        %dma_start3A_139 = arith.constant 0 : i32
        %dma_start3A_140 = arith.constant 0 : i32
        %dma_start3A_141 = tpu.memref_slice %arg7[%dma_start3A_139, %dma_start3A_140] : memref<10240x128xf32, #tpu.memory_space<vmem_shared>> -> memref<10240x128xf32, #tpu.memory_space<vmem_shared>>
        tpu.enqueue_indirect_dma source(%arg11 : memref<128x128xf32, #tpu.memory_space<vmem>>) target(%dma_start3A_141 : memref<10240x128xf32, #tpu.memory_space<vmem_shared>>) offsets(%dma_start3A_138 : memref<128xi32, #tpu.memory_space<vmem>>) semaphore(%run_scoped3A_135 : memref<!tpu.dma_semaphore, #tpu.memory_space<semaphore_mem>>) {add = true}
        %dma_wait3A_142 = arith.constant 0 : i32
        %dma_wait3A_143 = tpu.memref_slice %arg9[%run_scoped3A_56, %dma_wait3A_142] : memref<8x128xi32, #tpu.memory_space<vmem>> -> memref<1x128xi32, #tpu.memory_space<vmem>>
        %dma_wait3A_144 = tpu.memref_squeeze %dma_wait3A_143 : memref<1x128xi32, #tpu.memory_space<vmem>> -> memref<128xi32, #tpu.memory_space<vmem>>
        %dma_wait3A_145 = arith.constant 0 : i32
        %dma_wait3A_146 = arith.constant 0 : i32
        %dma_wait3A_147 = tpu.memref_slice %arg7[%dma_wait3A_145, %dma_wait3A_146] : memref<10240x128xf32, #tpu.memory_space<vmem_shared>> -> memref<10240x128xf32, #tpu.memory_space<vmem_shared>>
        tpu.wait_indirect_dma semaphore(%run_scoped3A_135 : memref<!tpu.dma_semaphore, #tpu.memory_space<semaphore_mem>>) src(%arg11 : memref<128x128xf32, #tpu.memory_space<vmem>>) dst(%dma_wait3A_147 : memref<10240x128xf32, #tpu.memory_space<vmem_shared>>)
        tpu.yield
      }) : () -> ()
      %dma_start3A_57 = arith.constant 3 : i32
      %dma_start3A_58 = arith.constant 0 : i32
      %dma_start3A_59 = tpu.memref_slice %arg8[%dma_start3A_57, %dma_start3A_58] : memref<8x128xi32, #tpu.memory_space<vmem>> -> memref<1x128xi32, #tpu.memory_space<vmem>>
      %dma_start3A_60 = tpu.memref_squeeze %dma_start3A_59 : memref<1x128xi32, #tpu.memory_space<vmem>> -> memref<128xi32, #tpu.memory_space<vmem>>
      %dma_start3A_61 = arith.constant 0 : i32
      %dma_start3A_62 = arith.constant 0 : i32
      %dma_start3A_63 = tpu.memref_slice %arg2[%dma_start3A_61, %dma_start3A_62] : memref<10240x128xf32, #tpu.memory_space<hbm>> -> memref<10240x128xf32, #tpu.memory_space<hbm>>
      tpu.enqueue_indirect_dma source(%dma_start3A_63 : memref<10240x128xf32, #tpu.memory_space<hbm>>) target(%arg11 : memref<128x128xf32, #tpu.memory_space<vmem>>) offsets(%dma_start3A_60 : memref<128xi32, #tpu.memory_space<vmem>>) semaphore(%arg13 : memref<!tpu.dma_semaphore, #tpu.memory_space<semaphore_mem>>)
      %dma_wait3A_64 = arith.constant 0 : i32
      %dma_wait3A_65 = arith.constant 0 : i32
      %dma_wait3A_66 = tpu.memref_slice %arg2[%dma_wait3A_64, %dma_wait3A_65] : memref<10240x128xf32, #tpu.memory_space<hbm>> -> memref<128x128xf32, #tpu.memory_space<hbm>>
      %dma_wait3A_67 = arith.constant 0 : i32
      %dma_wait3A_68 = arith.constant 0 : i32
      %dma_wait3A_69 = tpu.memref_slice %arg2[%dma_wait3A_67, %dma_wait3A_68] : memref<10240x128xf32, #tpu.memory_space<hbm>> -> memref<128x128xf32, #tpu.memory_space<hbm>>
      tpu.wait_dma2 semaphore(%arg12 : memref<!tpu.dma_semaphore, #tpu.memory_space<semaphore_mem>>) src(%dma_wait3A_69 : memref<128x128xf32, #tpu.memory_space<hbm>>) dst(%arg10 : memref<128x128xf32, #tpu.memory_space<vmem>>)
      %run_scoped3A_70 = arith.constant 2 : i32
      "tpu.region"() ({
        %run_scoped3A_135 = tpu.sem_alloc : memref<!tpu.dma_semaphore, #tpu.memory_space<semaphore_mem>>
        %dma_start3A_136 = arith.constant 0 : i32
        %dma_start3A_137 = tpu.memref_slice %arg9[%run_scoped3A_70, %dma_start3A_136] : memref<8x128xi32, #tpu.memory_space<vmem>> -> memref<1x128xi32, #tpu.memory_space<vmem>>
        %dma_start3A_138 = tpu.memref_squeeze %dma_start3A_137 : memref<1x128xi32, #tpu.memory_space<vmem>> -> memref<128xi32, #tpu.memory_space<vmem>>
        %dma_start3A_139 = arith.constant 0 : i32
        %dma_start3A_140 = arith.constant 0 : i32
        %dma_start3A_141 = tpu.memref_slice %arg7[%dma_start3A_139, %dma_start3A_140] : memref<10240x128xf32, #tpu.memory_space<vmem_shared>> -> memref<10240x128xf32, #tpu.memory_space<vmem_shared>>
        tpu.enqueue_indirect_dma source(%arg10 : memref<128x128xf32, #tpu.memory_space<vmem>>) target(%dma_start3A_141 : memref<10240x128xf32, #tpu.memory_space<vmem_shared>>) offsets(%dma_start3A_138 : memref<128xi32, #tpu.memory_space<vmem>>) semaphore(%run_scoped3A_135 : memref<!tpu.dma_semaphore, #tpu.memory_space<semaphore_mem>>) {add = true}
        %dma_wait3A_142 = arith.constant 0 : i32
        %dma_wait3A_143 = tpu.memref_slice %arg9[%run_scoped3A_70, %dma_wait3A_142] : memref<8x128xi32, #tpu.memory_space<vmem>> -> memref<1x128xi32, #tpu.memory_space<vmem>>
        %dma_wait3A_144 = tpu.memref_squeeze %dma_wait3A_143 : memref<1x128xi32, #tpu.memory_space<vmem>> -> memref<128xi32, #tpu.memory_space<vmem>>
        %dma_wait3A_145 = arith.constant 0 : i32
        %dma_wait3A_146 = arith.constant 0 : i32
        %dma_wait3A_147 = tpu.memref_slice %arg7[%dma_wait3A_145, %dma_wait3A_146] : memref<10240x128xf32, #tpu.memory_space<vmem_shared>> -> memref<10240x128xf32, #tpu.memory_space<vmem_shared>>
        tpu.wait_indirect_dma semaphore(%run_scoped3A_135 : memref<!tpu.dma_semaphore, #tpu.memory_space<semaphore_mem>>) src(%arg10 : memref<128x128xf32, #tpu.memory_space<vmem>>) dst(%dma_wait3A_147 : memref<10240x128xf32, #tpu.memory_space<vmem_shared>>)
        tpu.yield
      }) : () -> ()
      %dma_start3A_71 = arith.constant 4 : i32
      %dma_start3A_72 = arith.constant 0 : i32
      %dma_start3A_73 = tpu.memref_slice %arg8[%dma_start3A_71, %dma_start3A_72] : memref<8x128xi32, #tpu.memory_space<vmem>> -> memref<1x128xi32, #tpu.memory_space<vmem>>
      %dma_start3A_74 = tpu.memref_squeeze %dma_start3A_73 : memref<1x128xi32, #tpu.memory_space<vmem>> -> memref<128xi32, #tpu.memory_space<vmem>>
      %dma_start3A_75 = arith.constant 0 : i32
      %dma_start3A_76 = arith.constant 0 : i32
      %dma_start3A_77 = tpu.memref_slice %arg2[%dma_start3A_75, %dma_start3A_76] : memref<10240x128xf32, #tpu.memory_space<hbm>> -> memref<10240x128xf32, #tpu.memory_space<hbm>>
      tpu.enqueue_indirect_dma source(%dma_start3A_77 : memref<10240x128xf32, #tpu.memory_space<hbm>>) target(%arg10 : memref<128x128xf32, #tpu.memory_space<vmem>>) offsets(%dma_start3A_74 : memref<128xi32, #tpu.memory_space<vmem>>) semaphore(%arg12 : memref<!tpu.dma_semaphore, #tpu.memory_space<semaphore_mem>>)
      %dma_wait3A_78 = arith.constant 0 : i32
      %dma_wait3A_79 = arith.constant 0 : i32
      %dma_wait3A_80 = tpu.memref_slice %arg2[%dma_wait3A_78, %dma_wait3A_79] : memref<10240x128xf32, #tpu.memory_space<hbm>> -> memref<128x128xf32, #tpu.memory_space<hbm>>
      %dma_wait3A_81 = arith.constant 0 : i32
      %dma_wait3A_82 = arith.constant 0 : i32
      %dma_wait3A_83 = tpu.memref_slice %arg2[%dma_wait3A_81, %dma_wait3A_82] : memref<10240x128xf32, #tpu.memory_space<hbm>> -> memref<128x128xf32, #tpu.memory_space<hbm>>
      tpu.wait_dma2 semaphore(%arg13 : memref<!tpu.dma_semaphore, #tpu.memory_space<semaphore_mem>>) src(%dma_wait3A_83 : memref<128x128xf32, #tpu.memory_space<hbm>>) dst(%arg11 : memref<128x128xf32, #tpu.memory_space<vmem>>)
      %run_scoped3A_84 = arith.constant 3 : i32
      "tpu.region"() ({
        %run_scoped3A_135 = tpu.sem_alloc : memref<!tpu.dma_semaphore, #tpu.memory_space<semaphore_mem>>
        %dma_start3A_136 = arith.constant 0 : i32
        %dma_start3A_137 = tpu.memref_slice %arg9[%run_scoped3A_84, %dma_start3A_136] : memref<8x128xi32, #tpu.memory_space<vmem>> -> memref<1x128xi32, #tpu.memory_space<vmem>>
        %dma_start3A_138 = tpu.memref_squeeze %dma_start3A_137 : memref<1x128xi32, #tpu.memory_space<vmem>> -> memref<128xi32, #tpu.memory_space<vmem>>
        %dma_start3A_139 = arith.constant 0 : i32
        %dma_start3A_140 = arith.constant 0 : i32
        %dma_start3A_141 = tpu.memref_slice %arg7[%dma_start3A_139, %dma_start3A_140] : memref<10240x128xf32, #tpu.memory_space<vmem_shared>> -> memref<10240x128xf32, #tpu.memory_space<vmem_shared>>
        tpu.enqueue_indirect_dma source(%arg11 : memref<128x128xf32, #tpu.memory_space<vmem>>) target(%dma_start3A_141 : memref<10240x128xf32, #tpu.memory_space<vmem_shared>>) offsets(%dma_start3A_138 : memref<128xi32, #tpu.memory_space<vmem>>) semaphore(%run_scoped3A_135 : memref<!tpu.dma_semaphore, #tpu.memory_space<semaphore_mem>>) {add = true}
        %dma_wait3A_142 = arith.constant 0 : i32
        %dma_wait3A_143 = tpu.memref_slice %arg9[%run_scoped3A_84, %dma_wait3A_142] : memref<8x128xi32, #tpu.memory_space<vmem>> -> memref<1x128xi32, #tpu.memory_space<vmem>>
        %dma_wait3A_144 = tpu.memref_squeeze %dma_wait3A_143 : memref<1x128xi32, #tpu.memory_space<vmem>> -> memref<128xi32, #tpu.memory_space<vmem>>
        %dma_wait3A_145 = arith.constant 0 : i32
        %dma_wait3A_146 = arith.constant 0 : i32
        %dma_wait3A_147 = tpu.memref_slice %arg7[%dma_wait3A_145, %dma_wait3A_146] : memref<10240x128xf32, #tpu.memory_space<vmem_shared>> -> memref<10240x128xf32, #tpu.memory_space<vmem_shared>>
        tpu.wait_indirect_dma semaphore(%run_scoped3A_135 : memref<!tpu.dma_semaphore, #tpu.memory_space<semaphore_mem>>) src(%arg11 : memref<128x128xf32, #tpu.memory_space<vmem>>) dst(%dma_wait3A_147 : memref<10240x128xf32, #tpu.memory_space<vmem_shared>>)
        tpu.yield
      }) : () -> ()
      %dma_start3A_85 = arith.constant 5 : i32
      %dma_start3A_86 = arith.constant 0 : i32
      %dma_start3A_87 = tpu.memref_slice %arg8[%dma_start3A_85, %dma_start3A_86] : memref<8x128xi32, #tpu.memory_space<vmem>> -> memref<1x128xi32, #tpu.memory_space<vmem>>
      %dma_start3A_88 = tpu.memref_squeeze %dma_start3A_87 : memref<1x128xi32, #tpu.memory_space<vmem>> -> memref<128xi32, #tpu.memory_space<vmem>>
      %dma_start3A_89 = arith.constant 0 : i32
      %dma_start3A_90 = arith.constant 0 : i32
      %dma_start3A_91 = tpu.memref_slice %arg2[%dma_start3A_89, %dma_start3A_90] : memref<10240x128xf32, #tpu.memory_space<hbm>> -> memref<10240x128xf32, #tpu.memory_space<hbm>>
      tpu.enqueue_indirect_dma source(%dma_start3A_91 : memref<10240x128xf32, #tpu.memory_space<hbm>>) target(%arg11 : memref<128x128xf32, #tpu.memory_space<vmem>>) offsets(%dma_start3A_88 : memref<128xi32, #tpu.memory_space<vmem>>) semaphore(%arg13 : memref<!tpu.dma_semaphore, #tpu.memory_space<semaphore_mem>>)
      %dma_wait3A_92 = arith.constant 0 : i32
      %dma_wait3A_93 = arith.constant 0 : i32
      %dma_wait3A_94 = tpu.memref_slice %arg2[%dma_wait3A_92, %dma_wait3A_93] : memref<10240x128xf32, #tpu.memory_space<hbm>> -> memref<128x128xf32, #tpu.memory_space<hbm>>
      %dma_wait3A_95 = arith.constant 0 : i32
      %dma_wait3A_96 = arith.constant 0 : i32
      %dma_wait3A_97 = tpu.memref_slice %arg2[%dma_wait3A_95, %dma_wait3A_96] : memref<10240x128xf32, #tpu.memory_space<hbm>> -> memref<128x128xf32, #tpu.memory_space<hbm>>
      tpu.wait_dma2 semaphore(%arg12 : memref<!tpu.dma_semaphore, #tpu.memory_space<semaphore_mem>>) src(%dma_wait3A_97 : memref<128x128xf32, #tpu.memory_space<hbm>>) dst(%arg10 : memref<128x128xf32, #tpu.memory_space<vmem>>)
      %run_scoped3A_98 = arith.constant 4 : i32
      "tpu.region"() ({
        %run_scoped3A_135 = tpu.sem_alloc : memref<!tpu.dma_semaphore, #tpu.memory_space<semaphore_mem>>
        %dma_start3A_136 = arith.constant 0 : i32
        %dma_start3A_137 = tpu.memref_slice %arg9[%run_scoped3A_98, %dma_start3A_136] : memref<8x128xi32, #tpu.memory_space<vmem>> -> memref<1x128xi32, #tpu.memory_space<vmem>>
        %dma_start3A_138 = tpu.memref_squeeze %dma_start3A_137 : memref<1x128xi32, #tpu.memory_space<vmem>> -> memref<128xi32, #tpu.memory_space<vmem>>
        %dma_start3A_139 = arith.constant 0 : i32
        %dma_start3A_140 = arith.constant 0 : i32
        %dma_start3A_141 = tpu.memref_slice %arg7[%dma_start3A_139, %dma_start3A_140] : memref<10240x128xf32, #tpu.memory_space<vmem_shared>> -> memref<10240x128xf32, #tpu.memory_space<vmem_shared>>
        tpu.enqueue_indirect_dma source(%arg10 : memref<128x128xf32, #tpu.memory_space<vmem>>) target(%dma_start3A_141 : memref<10240x128xf32, #tpu.memory_space<vmem_shared>>) offsets(%dma_start3A_138 : memref<128xi32, #tpu.memory_space<vmem>>) semaphore(%run_scoped3A_135 : memref<!tpu.dma_semaphore, #tpu.memory_space<semaphore_mem>>) {add = true}
        %dma_wait3A_142 = arith.constant 0 : i32
        %dma_wait3A_143 = tpu.memref_slice %arg9[%run_scoped3A_98, %dma_wait3A_142] : memref<8x128xi32, #tpu.memory_space<vmem>> -> memref<1x128xi32, #tpu.memory_space<vmem>>
        %dma_wait3A_144 = tpu.memref_squeeze %dma_wait3A_143 : memref<1x128xi32, #tpu.memory_space<vmem>> -> memref<128xi32, #tpu.memory_space<vmem>>
        %dma_wait3A_145 = arith.constant 0 : i32
        %dma_wait3A_146 = arith.constant 0 : i32
        %dma_wait3A_147 = tpu.memref_slice %arg7[%dma_wait3A_145, %dma_wait3A_146] : memref<10240x128xf32, #tpu.memory_space<vmem_shared>> -> memref<10240x128xf32, #tpu.memory_space<vmem_shared>>
        tpu.wait_indirect_dma semaphore(%run_scoped3A_135 : memref<!tpu.dma_semaphore, #tpu.memory_space<semaphore_mem>>) src(%arg10 : memref<128x128xf32, #tpu.memory_space<vmem>>) dst(%dma_wait3A_147 : memref<10240x128xf32, #tpu.memory_space<vmem_shared>>)
        tpu.yield
      }) : () -> ()
      %dma_start3A_99 = arith.constant 6 : i32
      %dma_start3A_100 = arith.constant 0 : i32
      %dma_start3A_101 = tpu.memref_slice %arg8[%dma_start3A_99, %dma_start3A_100] : memref<8x128xi32, #tpu.memory_space<vmem>> -> memref<1x128xi32, #tpu.memory_space<vmem>>
      %dma_start3A_102 = tpu.memref_squeeze %dma_start3A_101 : memref<1x128xi32, #tpu.memory_space<vmem>> -> memref<128xi32, #tpu.memory_space<vmem>>
      %dma_start3A_103 = arith.constant 0 : i32
      %dma_start3A_104 = arith.constant 0 : i32
      %dma_start3A_105 = tpu.memref_slice %arg2[%dma_start3A_103, %dma_start3A_104] : memref<10240x128xf32, #tpu.memory_space<hbm>> -> memref<10240x128xf32, #tpu.memory_space<hbm>>
      tpu.enqueue_indirect_dma source(%dma_start3A_105 : memref<10240x128xf32, #tpu.memory_space<hbm>>) target(%arg10 : memref<128x128xf32, #tpu.memory_space<vmem>>) offsets(%dma_start3A_102 : memref<128xi32, #tpu.memory_space<vmem>>) semaphore(%arg12 : memref<!tpu.dma_semaphore, #tpu.memory_space<semaphore_mem>>)
      %dma_wait3A_106 = arith.constant 0 : i32
      %dma_wait3A_107 = arith.constant 0 : i32
      %dma_wait3A_108 = tpu.memref_slice %arg2[%dma_wait3A_106, %dma_wait3A_107] : memref<10240x128xf32, #tpu.memory_space<hbm>> -> memref<128x128xf32, #tpu.memory_space<hbm>>
      %dma_wait3A_109 = arith.constant 0 : i32
      %dma_wait3A_110 = arith.constant 0 : i32
      %dma_wait3A_111 = tpu.memref_slice %arg2[%dma_wait3A_109, %dma_wait3A_110] : memref<10240x128xf32, #tpu.memory_space<hbm>> -> memref<128x128xf32, #tpu.memory_space<hbm>>
      tpu.wait_dma2 semaphore(%arg13 : memref<!tpu.dma_semaphore, #tpu.memory_space<semaphore_mem>>) src(%dma_wait3A_111 : memref<128x128xf32, #tpu.memory_space<hbm>>) dst(%arg11 : memref<128x128xf32, #tpu.memory_space<vmem>>)
      %run_scoped3A_112 = arith.constant 5 : i32
      "tpu.region"() ({
        %run_scoped3A_135 = tpu.sem_alloc : memref<!tpu.dma_semaphore, #tpu.memory_space<semaphore_mem>>
        %dma_start3A_136 = arith.constant 0 : i32
        %dma_start3A_137 = tpu.memref_slice %arg9[%run_scoped3A_112, %dma_start3A_136] : memref<8x128xi32, #tpu.memory_space<vmem>> -> memref<1x128xi32, #tpu.memory_space<vmem>>
        %dma_start3A_138 = tpu.memref_squeeze %dma_start3A_137 : memref<1x128xi32, #tpu.memory_space<vmem>> -> memref<128xi32, #tpu.memory_space<vmem>>
        %dma_start3A_139 = arith.constant 0 : i32
        %dma_start3A_140 = arith.constant 0 : i32
        %dma_start3A_141 = tpu.memref_slice %arg7[%dma_start3A_139, %dma_start3A_140] : memref<10240x128xf32, #tpu.memory_space<vmem_shared>> -> memref<10240x128xf32, #tpu.memory_space<vmem_shared>>
        tpu.enqueue_indirect_dma source(%arg11 : memref<128x128xf32, #tpu.memory_space<vmem>>) target(%dma_start3A_141 : memref<10240x128xf32, #tpu.memory_space<vmem_shared>>) offsets(%dma_start3A_138 : memref<128xi32, #tpu.memory_space<vmem>>) semaphore(%run_scoped3A_135 : memref<!tpu.dma_semaphore, #tpu.memory_space<semaphore_mem>>) {add = true}
        %dma_wait3A_142 = arith.constant 0 : i32
        %dma_wait3A_143 = tpu.memref_slice %arg9[%run_scoped3A_112, %dma_wait3A_142] : memref<8x128xi32, #tpu.memory_space<vmem>> -> memref<1x128xi32, #tpu.memory_space<vmem>>
        %dma_wait3A_144 = tpu.memref_squeeze %dma_wait3A_143 : memref<1x128xi32, #tpu.memory_space<vmem>> -> memref<128xi32, #tpu.memory_space<vmem>>
        %dma_wait3A_145 = arith.constant 0 : i32
        %dma_wait3A_146 = arith.constant 0 : i32
        %dma_wait3A_147 = tpu.memref_slice %arg7[%dma_wait3A_145, %dma_wait3A_146] : memref<10240x128xf32, #tpu.memory_space<vmem_shared>> -> memref<10240x128xf32, #tpu.memory_space<vmem_shared>>
        tpu.wait_indirect_dma semaphore(%run_scoped3A_135 : memref<!tpu.dma_semaphore, #tpu.memory_space<semaphore_mem>>) src(%arg11 : memref<128x128xf32, #tpu.memory_space<vmem>>) dst(%dma_wait3A_147 : memref<10240x128xf32, #tpu.memory_space<vmem_shared>>)
        tpu.yield
      }) : () -> ()
      %dma_start3A_113 = arith.constant 7 : i32
      %dma_start3A_114 = arith.constant 0 : i32
      %dma_start3A_115 = tpu.memref_slice %arg8[%dma_start3A_113, %dma_start3A_114] : memref<8x128xi32, #tpu.memory_space<vmem>> -> memref<1x128xi32, #tpu.memory_space<vmem>>
      %dma_start3A_116 = tpu.memref_squeeze %dma_start3A_115 : memref<1x128xi32, #tpu.memory_space<vmem>> -> memref<128xi32, #tpu.memory_space<vmem>>
      %dma_start3A_117 = arith.constant 0 : i32
      %dma_start3A_118 = arith.constant 0 : i32
      %dma_start3A_119 = tpu.memref_slice %arg2[%dma_start3A_117, %dma_start3A_118] : memref<10240x128xf32, #tpu.memory_space<hbm>> -> memref<10240x128xf32, #tpu.memory_space<hbm>>
      tpu.enqueue_indirect_dma source(%dma_start3A_119 : memref<10240x128xf32, #tpu.memory_space<hbm>>) target(%arg11 : memref<128x128xf32, #tpu.memory_space<vmem>>) offsets(%dma_start3A_116 : memref<128xi32, #tpu.memory_space<vmem>>) semaphore(%arg13 : memref<!tpu.dma_semaphore, #tpu.memory_space<semaphore_mem>>)
      %dma_wait3A_120 = arith.constant 0 : i32
      %dma_wait3A_121 = arith.constant 0 : i32
      %dma_wait3A_122 = tpu.memref_slice %arg2[%dma_wait3A_120, %dma_wait3A_121] : memref<10240x128xf32, #tpu.memory_space<hbm>> -> memref<128x128xf32, #tpu.memory_space<hbm>>
      %dma_wait3A_123 = arith.constant 0 : i32
      %dma_wait3A_124 = arith.constant 0 : i32
      %dma_wait3A_125 = tpu.memref_slice %arg2[%dma_wait3A_123, %dma_wait3A_124] : memref<10240x128xf32, #tpu.memory_space<hbm>> -> memref<128x128xf32, #tpu.memory_space<hbm>>
      tpu.wait_dma2 semaphore(%arg12 : memref<!tpu.dma_semaphore, #tpu.memory_space<semaphore_mem>>) src(%dma_wait3A_125 : memref<128x128xf32, #tpu.memory_space<hbm>>) dst(%arg10 : memref<128x128xf32, #tpu.memory_space<vmem>>)
      %run_scoped3A_126 = arith.constant 6 : i32
      "tpu.region"() ({
        %run_scoped3A_135 = tpu.sem_alloc : memref<!tpu.dma_semaphore, #tpu.memory_space<semaphore_mem>>
        %dma_start3A_136 = arith.constant 0 : i32
        %dma_start3A_137 = tpu.memref_slice %arg9[%run_scoped3A_126, %dma_start3A_136] : memref<8x128xi32, #tpu.memory_space<vmem>> -> memref<1x128xi32, #tpu.memory_space<vmem>>
        %dma_start3A_138 = tpu.memref_squeeze %dma_start3A_137 : memref<1x128xi32, #tpu.memory_space<vmem>> -> memref<128xi32, #tpu.memory_space<vmem>>
        %dma_start3A_139 = arith.constant 0 : i32
        %dma_start3A_140 = arith.constant 0 : i32
        %dma_start3A_141 = tpu.memref_slice %arg7[%dma_start3A_139, %dma_start3A_140] : memref<10240x128xf32, #tpu.memory_space<vmem_shared>> -> memref<10240x128xf32, #tpu.memory_space<vmem_shared>>
        tpu.enqueue_indirect_dma source(%arg10 : memref<128x128xf32, #tpu.memory_space<vmem>>) target(%dma_start3A_141 : memref<10240x128xf32, #tpu.memory_space<vmem_shared>>) offsets(%dma_start3A_138 : memref<128xi32, #tpu.memory_space<vmem>>) semaphore(%run_scoped3A_135 : memref<!tpu.dma_semaphore, #tpu.memory_space<semaphore_mem>>) {add = true}
        %dma_wait3A_142 = arith.constant 0 : i32
        %dma_wait3A_143 = tpu.memref_slice %arg9[%run_scoped3A_126, %dma_wait3A_142] : memref<8x128xi32, #tpu.memory_space<vmem>> -> memref<1x128xi32, #tpu.memory_space<vmem>>
        %dma_wait3A_144 = tpu.memref_squeeze %dma_wait3A_143 : memref<1x128xi32, #tpu.memory_space<vmem>> -> memref<128xi32, #tpu.memory_space<vmem>>
        %dma_wait3A_145 = arith.constant 0 : i32
        %dma_wait3A_146 = arith.constant 0 : i32
        %dma_wait3A_147 = tpu.memref_slice %arg7[%dma_wait3A_145, %dma_wait3A_146] : memref<10240x128xf32, #tpu.memory_space<vmem_shared>> -> memref<10240x128xf32, #tpu.memory_space<vmem_shared>>
        tpu.wait_indirect_dma semaphore(%run_scoped3A_135 : memref<!tpu.dma_semaphore, #tpu.memory_space<semaphore_mem>>) src(%arg10 : memref<128x128xf32, #tpu.memory_space<vmem>>) dst(%dma_wait3A_147 : memref<10240x128xf32, #tpu.memory_space<vmem_shared>>)
        tpu.yield
      }) : () -> ()
      %dma_wait3A_127 = arith.constant 0 : i32
      %dma_wait3A_128 = arith.constant 0 : i32
      %dma_wait3A_129 = tpu.memref_slice %arg2[%dma_wait3A_127, %dma_wait3A_128] : memref<10240x128xf32, #tpu.memory_space<hbm>> -> memref<128x128xf32, #tpu.memory_space<hbm>>
      %dma_wait3A_130 = arith.constant 0 : i32
      %dma_wait3A_131 = arith.constant 0 : i32
      %dma_wait3A_132 = tpu.memref_slice %arg2[%dma_wait3A_130, %dma_wait3A_131] : memref<10240x128xf32, #tpu.memory_space<hbm>> -> memref<128x128xf32, #tpu.memory_space<hbm>>
      tpu.wait_dma2 semaphore(%arg13 : memref<!tpu.dma_semaphore, #tpu.memory_space<semaphore_mem>>) src(%dma_wait3A_132 : memref<128x128xf32, #tpu.memory_space<hbm>>) dst(%arg11 : memref<128x128xf32, #tpu.memory_space<vmem>>)
      %run_scoped3A_133 = arith.constant 7 : i32
      "tpu.region"() ({
        %run_scoped3A_135 = tpu.sem_alloc : memref<!tpu.dma_semaphore, #tpu.memory_space<semaphore_mem>>
        %dma_start3A_136 = arith.constant 0 : i32
        %dma_start3A_137 = tpu.memref_slice %arg9[%run_scoped3A_133, %dma_start3A_136] : memref<8x128xi32, #tpu.memory_space<vmem>> -> memref<1x128xi32, #tpu.memory_space<vmem>>
        %dma_start3A_138 = tpu.memref_squeeze %dma_start3A_137 : memref<1x128xi32, #tpu.memory_space<vmem>> -> memref<128xi32, #tpu.memory_space<vmem>>
        %dma_start3A_139 = arith.constant 0 : i32
        %dma_start3A_140 = arith.constant 0 : i32
        %dma_start3A_141 = tpu.memref_slice %arg7[%dma_start3A_139, %dma_start3A_140] : memref<10240x128xf32, #tpu.memory_space<vmem_shared>> -> memref<10240x128xf32, #tpu.memory_space<vmem_shared>>
        tpu.enqueue_indirect_dma source(%arg11 : memref<128x128xf32, #tpu.memory_space<vmem>>) target(%dma_start3A_141 : memref<10240x128xf32, #tpu.memory_space<vmem_shared>>) offsets(%dma_start3A_138 : memref<128xi32, #tpu.memory_space<vmem>>) semaphore(%run_scoped3A_135 : memref<!tpu.dma_semaphore, #tpu.memory_space<semaphore_mem>>) {add = true}
        %dma_wait3A_142 = arith.constant 0 : i32
        %dma_wait3A_143 = tpu.memref_slice %arg9[%run_scoped3A_133, %dma_wait3A_142] : memref<8x128xi32, #tpu.memory_space<vmem>> -> memref<1x128xi32, #tpu.memory_space<vmem>>
        %dma_wait3A_144 = tpu.memref_squeeze %dma_wait3A_143 : memref<1x128xi32, #tpu.memory_space<vmem>> -> memref<128xi32, #tpu.memory_space<vmem>>
        %dma_wait3A_145 = arith.constant 0 : i32
        %dma_wait3A_146 = arith.constant 0 : i32
        %dma_wait3A_147 = tpu.memref_slice %arg7[%dma_wait3A_145, %dma_wait3A_146] : memref<10240x128xf32, #tpu.memory_space<vmem_shared>> -> memref<10240x128xf32, #tpu.memory_space<vmem_shared>>
        tpu.wait_indirect_dma semaphore(%run_scoped3A_135 : memref<!tpu.dma_semaphore, #tpu.memory_space<semaphore_mem>>) src(%arg11 : memref<128x128xf32, #tpu.memory_space<vmem>>) dst(%dma_wait3A_147 : memref<10240x128xf32, #tpu.memory_space<vmem_shared>>)
        tpu.yield
      }) : () -> ()
      %scan3A_134 = arith.constant 0 : i32
      scf.yield %scan3A_134 : i32
    }
    %scan3A_12 = arith.constant 10 : i32
    %barrier3A_13 = arith.constant 0 : index
    tpu.barrier barrier_id(%barrier3A_13)
    %mul3A_14 = arith.constant 640 : i32
    %mul3A_15 = arith.muli %arg1, %mul3A_14 : i32
    %mul3A_16 = arith.constant 640 : i32
    %mul3A_17 = arith.muli %arg1, %mul3A_16 : i32
    "tpu.region"() ({
      %run_scoped3A = tpu.sem_alloc : memref<!tpu.dma_semaphore, #tpu.memory_space<semaphore_mem>>
      %dma_start3A = arith.constant 0 : i32
      %dma_start3A_18 = tpu.memref_slice %arg6[%arg0, %mul3A_17, %dma_start3A] : memref<2x10240x128xf32, #tpu.memory_space<hbm>> -> memref<1x640x128xf32, #tpu.memory_space<hbm>>
      %dma_start3A_19 = tpu.memref_squeeze %dma_start3A_18 : memref<1x640x128xf32, #tpu.memory_space<hbm>> -> memref<640x128xf32, #tpu.memory_space<hbm>>
      %dma_start3A_20 = arith.constant 0 : i32
      %dma_start3A_21 = tpu.memref_slice %arg7[%mul3A_15, %dma_start3A_20] : memref<10240x128xf32, #tpu.memory_space<vmem_shared>> -> memref<640x128xf32, #tpu.memory_space<vmem_shared>>
      tpu.enqueue_dma source(%dma_start3A_21 : memref<640x128xf32, #tpu.memory_space<vmem_shared>>) target(%dma_start3A_19 : memref<640x128xf32, #tpu.memory_space<hbm>>) target_semaphore(%run_scoped3A : memref<!tpu.dma_semaphore, #tpu.memory_space<semaphore_mem>>)
      %dma_wait3A = arith.constant 0 : i32
      %dma_wait3A_22 = tpu.memref_slice %arg6[%arg0, %mul3A_17, %dma_wait3A] : memref<2x10240x128xf32, #tpu.memory_space<hbm>> -> memref<1x640x128xf32, #tpu.memory_space<hbm>>
      %dma_wait3A_23 = tpu.memref_squeeze %dma_wait3A_22 : memref<1x640x128xf32, #tpu.memory_space<hbm>> -> memref<640x128xf32, #tpu.memory_space<hbm>>
      %dma_wait3A_24 = arith.constant 0 : i32
      %dma_wait3A_25 = tpu.memref_slice %arg7[%mul3A_15, %dma_wait3A_24] : memref<10240x128xf32, #tpu.memory_space<vmem_shared>> -> memref<640x128xf32, #tpu.memory_space<vmem_shared>>
      tpu.wait_dma2 semaphore(%run_scoped3A : memref<!tpu.dma_semaphore, #tpu.memory_space<semaphore_mem>>) src(%dma_wait3A_25 : memref<640x128xf32, #tpu.memory_space<vmem_shared>>) dst(%dma_wait3A_23 : memref<640x128xf32, #tpu.memory_space<hbm>>)
      tpu.yield
    }) : () -> ()
    return
  }
}

module attributes {stable_mosaic.version = 14 : i64} {
  func.func @_lin_body(%arg0: memref<10000x128xf32, #tpu.memory_space<vmem>>, %arg1: memref<128x128xf32, #tpu.memory_space<vmem>>, %arg2: memref<128xf32, #tpu.memory_space<vmem>>, %arg3: memref<2x10240xf32, #tpu.memory_space<vmem>>, %arg4: memref<10240x128xf32, #tpu.memory_space<vmem>>, %arg5: memref<10240x1xf32, #tpu.memory_space<vmem>>) attributes {dimension_semantics = [], scalar_prefetch = 0 : i64, scratch_operands = 0 : i64, tpu.core_type = #tpu.core_type<tc>} {
    %get3A = arith.constant 0 : index
    %get3A_0 = arith.constant 0 : index
    %get3A_1 = vector.load %arg3[%get3A, %get3A_0] : memref<2x10240xf32, #tpu.memory_space<vmem>>, vector<1x10240xf32>
    %get3A_2 = vector.shape_cast %get3A_1 : vector<1x10240xf32> to vector<10240xf32>
    %get3A_3 = arith.constant 1 : index
    %get3A_4 = arith.constant 0 : index
    %get3A_5 = vector.load %arg3[%get3A_3, %get3A_4] : memref<2x10240xf32, #tpu.memory_space<vmem>>, vector<1x10240xf32>
    %get3A_6 = vector.shape_cast %get3A_5 : vector<1x10240xf32> to vector<10240xf32>
    %add3A = arith.addf %get3A_2, %get3A_6 : vector<10240xf32>
    %add3A_7 = arith.constant 1.000000e+00 : f32
    %add3A_8 = vector.broadcast %add3A_7 : f32 to vector<10240xf32>
    %add3A_9 = arith.addf %add3A, %add3A_8 : vector<10240xf32>
    %reshape3A = vector.shape_cast %add3A_9 : vector<10240xf32> to vector<10240x1xf32>
    %rsqrt3A = math.rsqrt %reshape3A : vector<10240x1xf32>
    %get3A_10 = arith.constant 0 : index
    %get3A_11 = arith.constant 0 : index
    %get3A_12 = vector.load %arg0[%get3A_10, %get3A_11] : memref<10000x128xf32, #tpu.memory_space<vmem>>, vector<10000x128xf32>
    %get3A_13 = arith.constant 0 : index
    %get3A_14 = arith.constant 0 : index
    %get3A_15 = vector.load %arg1[%get3A_13, %get3A_14] : memref<128x128xf32, #tpu.memory_space<vmem>>, vector<128x128xf32>
    %dot_general3A = arith.constant dense<0.000000e+00> : vector<10000x128xf32>
    %dot_general3A_16 = tpu.matmul %get3A_12, %get3A_15, %dot_general3A {dimension_numbers = #tpu.dot_dimension_numbers<[1], [1], [0], [0], [0, 0, 1, 0], [], []>, transpose_lhs_hint = false} : vector<10000x128xf32>, vector<128x128xf32>, vector<10000x128xf32> -> vector<10000x128xf32>
    %slice3A = vector.extract_strided_slice %rsqrt3A {offsets = [0, 0], sizes = [10000, 1], strides = [1, 1]} : vector<10240x1xf32> to vector<10000x1xf32>
    %get3A_17 = arith.constant 0 : index
    %get3A_18 = vector.load %arg2[%get3A_17] : memref<128xf32, #tpu.memory_space<vmem>>, vector<128xf32>
    %reshape3A_19 = vector.shape_cast %get3A_18 : vector<128xf32> to vector<1x128xf32>
    %add3A_20 = vector.broadcast %reshape3A_19 : vector<1x128xf32> to vector<10000x128xf32>
    %add3A_21 = arith.addf %dot_general3A_16, %add3A_20 : vector<10000x128xf32>
    %mul3A = vector.broadcast %slice3A : vector<10000x1xf32> to vector<10000x128xf32>
    %mul3A_22 = arith.mulf %mul3A, %add3A_21 : vector<10000x128xf32>
    %swap3A = arith.constant 0 : index
    %swap3A_23 = arith.constant 0 : index
    %swap3A_24 = vector.load %arg4[%swap3A, %swap3A_23] : memref<10240x128xf32, #tpu.memory_space<vmem>>, vector<10000x128xf32>
    tpu.vector_store %arg4[%swap3A, %swap3A_23], %mul3A_22 {strides = array<i32>} : memref<10240x128xf32, #tpu.memory_space<vmem>>, vector<10000x128xf32>,
    %broadcast_in_dim3A = arith.constant 0.000000e+00 : f32
    %broadcast_in_dim3A_25 = vector.broadcast %broadcast_in_dim3A : f32 to vector<240x128xf32>
    %swap3A_26 = arith.constant 10000 : index
    %swap3A_27 = arith.constant 0 : index
    %swap3A_28 = vector.load %arg4[%swap3A_26, %swap3A_27] : memref<10240x128xf32, #tpu.memory_space<vmem>>, vector<240x128xf32>
    tpu.vector_store %arg4[%swap3A_26, %swap3A_27], %broadcast_in_dim3A_25 {strides = array<i32>} : memref<10240x128xf32, #tpu.memory_space<vmem>>, vector<240x128xf32>,
    %swap3A_29 = arith.constant 0 : index
    %swap3A_30 = arith.constant 0 : index
    %swap3A_31 = vector.load %arg5[%swap3A_29, %swap3A_30] : memref<10240x1xf32, #tpu.memory_space<vmem>>, vector<10240x1xf32>
    tpu.vector_store %arg5[%swap3A_29, %swap3A_30], %rsqrt3A {strides = array<i32>} : memref<10240x1xf32, #tpu.memory_space<vmem>>, vector<10240x1xf32>,
    return
  }
}

module attributes {stable_mosaic.version = 14 : i64} {
  func.func @_fin_body(%arg0: memref<2x10240x128xf32, #tpu.memory_space<vmem>>, %arg1: memref<10240x1xf32, #tpu.memory_space<vmem>>, %arg2: memref<10000x128xf32, #tpu.memory_space<vmem>>) attributes {dimension_semantics = [], scalar_prefetch = 0 : i64, scratch_operands = 0 : i64, tpu.core_type = #tpu.core_type<tc>} {
    %get3A = arith.constant 0 : index
    %get3A_0 = arith.constant 0 : index
    %get3A_1 = arith.constant 0 : index
    %get3A_2 = vector.load %arg0[%get3A, %get3A_0, %get3A_1] : memref<2x10240x128xf32, #tpu.memory_space<vmem>>, vector<1x10240x128xf32>
    %get3A_3 = vector.shape_cast %get3A_2 : vector<1x10240x128xf32> to vector<10240x128xf32>
    %get3A_4 = arith.constant 1 : index
    %get3A_5 = arith.constant 0 : index
    %get3A_6 = arith.constant 0 : index
    %get3A_7 = vector.load %arg0[%get3A_4, %get3A_5, %get3A_6] : memref<2x10240x128xf32, #tpu.memory_space<vmem>>, vector<1x10240x128xf32>
    %get3A_8 = vector.shape_cast %get3A_7 : vector<1x10240x128xf32> to vector<10240x128xf32>
    %add3A = arith.addf %get3A_3, %get3A_8 : vector<10240x128xf32>
    %get3A_9 = arith.constant 0 : index
    %get3A_10 = arith.constant 0 : index
    %get3A_11 = vector.load %arg1[%get3A_9, %get3A_10] : memref<10240x1xf32, #tpu.memory_space<vmem>>, vector<10240x1xf32>
    %mul3A = arith.constant 1.000000e+00 : f32
    %mul3A_12 = vector.broadcast %mul3A : f32 to vector<10240x1xf32>
    %mul3A_13 = arith.mulf %mul3A_12, %get3A_11 : vector<10240x1xf32>
    %mul3A_14 = vector.broadcast %mul3A_13 : vector<10240x1xf32> to vector<10240x128xf32>
    %mul3A_15 = arith.mulf %mul3A_14, %add3A : vector<10240x128xf32>
    %max3A = arith.constant 0.000000e+00 : f32
    %max3A_16 = vector.broadcast %max3A : f32 to vector<10240x128xf32>
    %max3A_17 = arith.maximumf %mul3A_15, %max3A_16 : vector<10240x128xf32>
    %mul3A_18 = arith.constant 1.250000e-01 : f32
    %mul3A_19 = vector.broadcast %mul3A_18 : f32 to vector<10240x128xf32>
    %mul3A_20 = arith.mulf %mul3A_19, %max3A_17 : vector<10240x128xf32>
    %slice3A = vector.extract_strided_slice %mul3A_20 {offsets = [0, 0], sizes = [10000, 128], strides = [1, 1]} : vector<10240x128xf32> to vector<10000x128xf32>
    %swap3A = arith.constant 0 : index
    %swap3A_21 = arith.constant 0 : index
    %swap3A_22 = vector.load %arg2[%swap3A, %swap3A_21] : memref<10000x128xf32, #tpu.memory_space<vmem>>, vector<10000x128xf32>
    tpu.vector_store %arg2[%swap3A, %swap3A_21], %slice3A {strides = array<i32>} : memref<10000x128xf32, #tpu.memory_space<vmem>>, vector<10000x128xf32>,
    return
  }
}

</mosaic_0001>

<sc_bundles>
// kernel: kernel.6.cloned.1.call-start
scs
__scs_entry_jumppad:
0x0: {  	(pc) =	sbr.rel $0x88, $3  }
0x1: {  	(tag) =	ssettag $0x0;
	lr =	simm.s32 $0x1  }
0x2: {  	[smem:$0x3F9D] =	sst lr;
	_ =	strace $0xD0000000  }
0x3: {  	_ = 	snop  }
0x4: {  	_ = 	snop  }
0x5: {  	_ = 	snop  }
0x6: {  	_ = 	snop  }
0x7: {  	_ = 	snop  }
__scs_overlays_trampoline_lowered:
0x8: {  	[smem:$0x3FAC] =	sst s0  }
0x9: {  	[smem:$0x3FAD] =	sst s1  }
0xa: {  	[smem:$0x3FAE] =	sst s2  }
0xb: {  	[smem:$0x3FAF] =	sst s3  }
0xc: {  	[smem:$0x3FB0] =	sst s4  }
0xd: {  	[smem:$0x3FB1] =	sst s5  }
0xe: {  	[smem:$0x3FB2] =	sst s6  }
0xf: {  	[smem:$0x3FB3] =	sst s7  }
0x10: {  	[smem:$0x3FB4] =	sst s8  }
0x11: {  	[smem:$0x3FB5] =	sst s9;
	s0 =	simm.s32 @!p0 $0x0  }
0x12: {  	s1 =	sld [smem:$0x3F9B];
	s0 =	simm.s32 @p0 $0x1  }
0x13: {  	[smem:$0x3FB6] =	sst s0;
	s0 =	simm.s32 @!p1 $0x0  }
0x14: {  	s2 =	sld [smem:$0x3F9A];
	s0 =	simm.s32 @p1 $0x1  }
0x15: {  	[smem:$0x3FB7] =	sst s0;
	s0 =	simm.s32 @!p2 $0x0  }
0x16: {  	s3 =	sld [smem:$0x3FDB];
	s0 =	simm.s32 @p2 $0x1  }
0x17: {  	s4 =	simm.s32 $0x1BF5;
	[smem:$0x3FB9] =	sst s0  }
0x18: {  	s0 =	sld [smem:$0x3F9C];
	_ =	swait.ge [sflag:s4], $0x0  }
0x19: {  	s7 =	sld [smem:$0x3F9D]  }
0x1a: {  	s8 =	sadd.s32 $0xFFFFE003, lr  }
0x1b: {  	s9 =	sadd.s32 $0xFFFFFEF7, lr;
	s5 =	simm.s32 $0xFFFFFFFF;
	p2 =	slt.u32 s8, $0xFFFFF086  }
0x1c: {  	p1 =	slt.u32 s9, $0xF7A;
	s5 =	simm.s32 @!p2 $0x0  }
0x1d: {  	s5 =	simm.s32 @p1 $0x1;
	p0 =	seq.s32 s7, s2  }
0x1e: {  	s7 =	smul.u32 @!p0 $0xF7A, s2;
	p2 =	seq.s32 @!p0 s5, $0x0  }
0x1f: {  	s9 =	smul.u32 $0xF7A, s1;
	s8 =	simm.s32 @!p0 $0x1BF5;
	p2 =	por !p2, p0  }
0x20: {  	[sflag:s8] =	ssyncset.s32 @!p0 $0xFFFFF086;
	s6 =	sadd.s32 @!p0 s3, s7;
	s7 =	simm.s32 @!p0 $0x108  }
0x21: {  	s3 =	sadd.s32 s3, s9;
	s6 =	sadd.s32 @!p0 $0x88, s6;
	s7 =	simm.s32 @p2 $0x1082  }
0x22: {  	[simem:s7], [sflag:s8] =	dma.local @!p0 [hbm:s6], $0xF7A  }
0x23: {  	s9 =	sor.u32 $0xD0000000, s2;
	s6 =	simm.s32 $0x108;
	_ =	swait.ge @!p0 [sflag:s8], $0x0  }
0x24: {  	s3 =	sadd.s32 $0x88, s3;
	s6 =	simm.s32 @!p1 $0x1082;
	[sflag:s4] =	ssyncset.s32 $0xFFFFF086  }
0x25: {  	[simem:s6], [sflag:s4] =	dma.local [hbm:s3], $0xF7A  }
0x26: {  	[smem:$0x3F9D] =	sst s1;
	(tag) =	ssettag s2;
	_ =	strace s9  }
0x27: {  	s1 =	sld [smem:$0x3FAD]  }
0x28: {  	s2 =	sld [smem:$0x3FAE]  }
0x29: {  	s4 =	sld [smem:$0x3FB0]  }
0x2a: {  	p0 =	seq.s32 s5, $0x0;
	s5 =	sld [smem:$0x3FB1]  }
0x2b: {  	s6 =	sld [smem:$0x3FB2]  }
0x2c: {  	s7 =	sld [smem:$0x3FB3]  }
0x2d: {  	s3 =	simm.s32 $0x108;
	s8 =	sld [smem:$0x3FB4]  }
0x2e: {  	s3 =	simm.s32 @!p0 $0x1082;
	s9 =	sld [smem:$0x3FB5]  }
0x2f: {  	lr =	sadd.s32 s0, s3;
	s0 =	sld [smem:$0x3FAC]  }
0x30: {  	s3 =	sld [smem:$0x3FAF]  }
0x31: {  	[smem:$0x3FB8] =	sst s10  }
0x32: {  	s10 =	sld [smem:$0x3FB6];
	_ =	sdelay $0x3  }
0x33: {  	p0 =	seq.s32 s10, $0x1;
	s10 =	sld [smem:$0x3FB8];
	_ =	sdelay $0x3  }
0x34: {  	[smem:$0x3FB8] =	sst s10  }
0x35: {  	s10 =	sld [smem:$0x3FB7];
	_ =	sdelay $0x3  }
0x36: {  	p1 =	seq.s32 s10, $0x1;
	s10 =	sld [smem:$0x3FB8];
	_ =	sdelay $0x3  }
0x37: {  	[smem:$0x3FB8] =	sst s10  }
0x38: {  	s10 =	sld [smem:$0x3FB9]  }
0x39: {  	_ = 	snop;
	(pc) =	sbr.ind lr, $3  }
0x3a: {  	_ = 	snop  }
0x3b: {  	_ = 	snop  }
0x3c: {  	p2 =	seq.s32 s10, $0x1;
	s10 =	sld [smem:$0x3FB8]  }
0x3d: {  	_ =	shalt  }
0x3e: {  	_ =	shalt  }
0x3f: {  	_ =	shalt  }
0x40: {  	_ =	shalt  }
0x41: {  	_ =	shalt  }
0x42: {  	_ =	shalt  }
0x43: {  	_ =	shalt  }
0x44: {  	_ =	shalt  }
0x45: {  	_ =	shalt  }
0x46: {  	_ =	shalt  }
0x47: {  	_ =	shalt  }
0x48: {  	_ =	shalt  }
0x49: {  	_ =	shalt  }
0x4a: {  	_ =	shalt  }
0x4b: {  	_ =	shalt  }
0x4c: {  	_ =	shalt  }
0x4d: {  	_ =	shalt  }
0x4e: {  	_ =	shalt  }
0x4f: {  	_ =	shalt  }
0x50: {  	_ =	shalt  }
0x51: {  	_ =	shalt  }
0x52: {  	_ =	shalt  }
0x53: {  	_ =	shalt  }
0x54: {  	_ =	shalt  }
0x55: {  	_ =	shalt  }
0x56: {  	_ =	shalt  }
0x57: {  	_ =	shalt  }
0x58: {  	_ =	shalt  }
0x59: {  	_ =	shalt  }
0x5a: {  	_ =	shalt  }
0x5b: {  	_ =	shalt  }
0x5c: {  	_ =	shalt  }
0x5d: {  	_ =	shalt  }
0x5e: {  	_ =	shalt  }
0x5f: {  	_ =	shalt  }
0x60: {  	_ =	shalt  }
0x61: {  	_ =	shalt  }
0x62: {  	_ =	shalt  }
0x63: {  	_ =	shalt  }
0x64: {  	_ =	shalt  }
0x65: {  	_ =	shalt  }
0x66: {  	_ =	shalt  }
0x67: {  	_ =	shalt  }
0x68: {  	_ =	shalt  }
0x69: {  	_ =	shalt  }
0x6a: {  	_ =	shalt  }
0x6b: {  	_ =	shalt  }
0x6c: {  	_ =	shalt  }
0x6d: {  	_ =	shalt  }
0x6e: {  	_ =	shalt  }
0x6f: {  	_ =	shalt  }
0x70: {  	_ =	shalt  }
0x71: {  	_ =	shalt  }
0x72: {  	_ =	shalt  }
0x73: {  	_ =	shalt  }
0x74: {  	_ =	shalt  }
0x75: {  	_ =	shalt  }
0x76: {  	_ =	shalt  }
0x77: {  	_ =	shalt  }
0x78: {  	_ =	shalt  }
0x79: {  	_ =	shalt  }
0x7a: {  	_ =	shalt  }
0x7b: {  	_ =	shalt  }
0x7c: {  	_ =	shalt  }
0x7d: {  	_ =	shalt  }
0x7e: {  	_ =	shalt  }
0x7f: {  	_ =	shalt  }
0x80: {  	_ =	shalt  }
0x81: {  	_ =	shalt  }
0x82: {  	_ =	shalt  }
0x83: {  	_ =	shalt  }
0x84: {  	_ =	shalt  }
0x85: {  	_ =	shalt  }
0x86: {  	_ =	shalt  }
0x87: {  	_ =	shalt  }
.Lfunc_end0:
.L_simem_size_0:
called_computation_lowered:
.L_overlay_start_0:
0x88: {  	s2 =	sld [smem:$0x3FD9]  }
0x89: {  	s3 =	sld [smem:$0x3FFE];
	_ =	sdelay $0x1  }
0x8a: {  	s1 =	srdreg.scid  }
0x8b: {  	s0 =	sand.u32 $0x1, s1  }
0x8c: {  	s16 =	sshll.u32 s0, $0xA;
	s2 =	sadd.s32 s3, s2  }
0x8d: {  	s2 =	sadd.s32 s2, s16  }
0x8e: {  	[smem:$0x3FC4] =	sst s2  }
0x8f: {  	_ = 	snop  }
0x90: {  	(tm) =	ssettm $0x1  }
0x91: {  	s17 =	sld [smem:$0x3FFB];
	_ =	sdelay $0x3  }
0x92: {  	_ =	strace s17  }
0x93: {  	s2 =	sld [smem:$0x3FFC];
	_ =	sdelay $0x3  }
0x94: {  	_ =	strace s2  }
0x95: {  	s2 =	sld [smem:$0x3FFD];
	_ =	sdelay $0x3  }
0x96: {  	_ =	strace s2  }
0x97: {  	_ =	strace $0x8FFFFFFF  }
0x98: {  	s18 =	sld [smem:$0x3FDB];
	_ =	sdelay $0x1  }
0x99: {  	s19 =	simm.s32 $_scs_section_size  }
0x9a: {  	s4 =	simm.s32 $_size__tile_overlayer_lowered;
	s5 =	simm.s32 $_tile_overlayer_lowered  }
0x9b: {  	s22 =	simm.s32 $0x1BFF;
	s21 =	sshll.u32 s5, $0x1;
	s2 =	sadd.s32 s19, s18  }
0x9c: {  	s6 =	simm.s32 $0x0;
	s20 =	sshll.u32 s4, $0x1;
	s4 =	sadd.s32 s21, s2  }
0x9d: {  	[timem:s6], [sflag:s22] =	dma.local [hbm:s4], s20  }
0x9e: {  	_ =	swait.ge [sflag:s22], s20  }
0x9f: {  	s3 =	ssub.s32 $0x0, s20;
	[sflag:s22] =	ssyncset.done $0x0  }
0xa0: {  	[sflag:s22] =	ssyncadd.s32 s3;
	_ =	sdelay $0x1  }
0xa1: {  	s23 =	simm.s32 $0x1B8B  }
0xa2: {  	_ =	swait.ge [sflag:s23], $0x1  }
0xa3: {  	[sflag:s23] =	ssyncset.done $0x0  }
0xa4: {  	s25 =	simm.s32 $0x1B8E;
	s24 =	sld [smem:$0x3FFE];
	[sflag:s23] =	ssyncadd.s32 $0xFFFFFFFF  }
0xa5: {  	s26 =	simm.s32 $execute0_lowered;
	[smem:$0x3FD2] =	sst s25  }
0xa6: {  	s4 =	sshll.u32 s26, $0x1;
	_ =	strace $0x80000046;
	[dreg:$0x1] =	wrdreg $0xFFFFFFFF  }
0xa7: {  	s28 =	simm.s32 $_size_execute0_lowered;
	s2 =	sadd.s32 s2, s4;
	[dreg:$0x0] =	wrdreg $0x0  }
0xa8: {  	s4 =	sshll.u32 s28, $0x1;
	[dreg:$0x2] =	wrdreg s2  }
0xa9: {  	[dreg:$0x3] =	wrdreg s4  }
0xaa: {  	[dreg:$0x4] =	wrdreg $0xC0  }
0xab: {  	_ =	task [dreg:s6], $0x5FFFF  }
0xac: {  	[dreg:$0x1] =	wrdreg $0xFFFFFFFF  }
0xad: {  	[dreg:$0x0] =	wrdreg $0x60  }
0xae: {  	[dreg:$0x2] =	wrdreg s24  }
0xaf: {  	[dreg:$0x3] =	wrdreg $0x0  }
0xb0: {  	[dreg:$0x4] =	wrdreg $0x9  }
0xb1: {  	_ =	task.clear_ibuf [dreg:s6], $0x5FFFF;
	_ =	strace $0x90000046  }
0xb2: {  	s29 =	simm.s32 $0x9;
	_ =	strace $0x80000048  }
0xb3: {  	_ =	swait.ge [sflag:s29], $0x1  }
0xb4: {  	[sflag:s29] =	ssyncadd.s32 $0xFFFFFFFF  }
0xb5: {  	_ =	strace $0x90000048  }
0xb6: {  	_ =	sfence  }
0xb7: {  	s30 =	sld [smem:$0x0];
	_ =	sdelay $0x2  }
0xb8: {  	s31 =	sshll.u32 s1, $0xD;
	s1 =	sshrl.u32 s1, $0x2  }
0xb9: {  	s3 =	sand.u32 $0x4000, s31;
	s1 =	sadd.s32 s1, s30  }
0xba: {  	s0 =	sor.u32 s3, s0;
	s1 =	sshll.u32 s1, $0x11  }
0xbb: {  	s0 =	sor.u32 s1, s0  }
0xbc: {  	s0 =	sadd.s32 $0x8F2B, s0  }
0xbd: {  	[sflag:s0] =	ssyncadd.remote.s32 $0x1  }
0xbe: {  	_ =	sfence.sel $0xFFFF  }
0xbf: {  	[dreg:$0x0] =	wrdreg $0xFFFFFFFF;
	(pc) =	sbr.abs _section_cstart, $3  }
0xc0: {  	[dreg:$0x1] =	wrdreg $0xFFFFFFFF  }
0xc1: {  	_ =	task.clear_ibuf [dreg:s6], $0x2FFFF;
	_ =	strace $0x9FFFFFFF  }
0xc2: {  	(tm) =	ssettm $0x7FFFFFFF  }
0xc3: {  	_ =	shalt  }
tec
execute0_lowered:
.L_overlay_start_1:
0x0: {  	(tag) =	ssettag $0x1  }
0x1: {  	s5 =	rddreg [dreg:$0x0]  }
0x2: {  	s0 =	srdreg.scid;
	s2 =	rddreg [dreg:$0x1]  }
0x3: {  	s3 =	simm.s32 $0x0;
	s10 =	simm.s32 $0x280;
	s11 =	simm.s32 $0x80  }
0x4: {  	s12 =	simm.s32 $0x2A80;
	s13 =	simm.s32 $0x1;
	s16 =	simm.s32 $0x20  }
0x5: {  	s17 =	simm.s32 $0x10;
	s4 =	sand.u32 $0x1, s0;
	s0 =	stileid.u32  }
0x6: {  	s18 =	simm.s32 $0x0;
	[smem:$0x7FF] =	sst s3;
	s7 =	smul.u32 $0x500, s0  }
0x7: {  	s1 =	sshll.u32 s4, $0x4;
	s8 =	sshll.u32 s4, $0x7;
	s9 =	smul.u32 $0xA00, s0  }
0x8: {  	s4 =	ssub.s32 $0x2, s4;
	s14 =	sshll.u32 s0, $0x6;
	s6 =	sor.u32 s0, s1  }
0x9: {  	s1 =	rddreg [dreg:$0x2];
	_ =	strace $0x80000047;
	s31 =	sshrl.u32 s4, $0x1  }
0xa: {  	s14 =	sor.u32 $0x1C02, s14;
	s6 =	smul.u32 $0x500, s6;
	s7 =	sor.u32 s8, s7  }
0xb: {  	s9 =	sshrl.u32 s9, $0x2;
	s8 =	ssub.s32 s4, s31;
	s7 =	sshrl.u32 s7, $0x3  }
0xc: {  	s4 =	sadd.s32 s9, s2;
	s9 =	simm.s32 $0x2;
	s6 =	sadd.s32 s6, s5  }
0xd: {  	s7 =	sadd.s32 s7, s5;
	s15 =	sshrl.u32 s4, $0x3;
	s5 =	sadd.s32 $0x1600, s6  }
0xe: {  	v0 =	vimm.f32 $1.000000000e+00;
	v1 =	vimm.f32 $0.0e+00;
	s6 =	sadd.s32 $0xB600, s7;
	s7 =	smax.u32 s8, $0x1;
	s8 =	simm.s32 $0x2B00  }
.LBB2_1:
0xf: {  	[tilespmem:$0x2A80] =	vst v0  }
0x10: {  	[tilespmem:$0x2A90] =	vst v0  }
0x11: {  	[tilespmem:$0x2AA0] =	vst v0  }
0x12: {  	[tilespmem:$0x2AB0] =	vst v0  }
0x13: {  	[tilespmem:$0x2AC0] =	vst v0  }
0x14: {  	[tilespmem:$0x2AD0] =	vst v0  }
0x15: {  	[tilespmem:$0x2AE0] =	vst v0  }
0x16: {  	[tilespmem:$0x2AF0] =	vst v0  }
0x17: {  	[tilespmem:$0x2B00] =	vst v1  }
0x18: {  	[tilespmem:$0x2B10] =	vst v1  }
0x19: {  	[tilespmem:$0x2B20] =	vst v1  }
0x1a: {  	[tilespmem:$0x2B30] =	vst v1  }
0x1b: {  	[tilespmem:$0x2B40] =	vst v1  }
0x1c: {  	[tilespmem:$0x2B50] =	vst v1  }
0x1d: {  	[tilespmem:$0x2B60] =	vst v1  }
0x1e: {  	[tilespmem:$0x2B70] =	vst v1  }
0x1f: {  	[tilespmem:$0x2B80] =	vst v1  }
0x20: {  	[tilespmem:$0x2B90] =	vst v1  }
0x21: {  	[tilespmem:$0x2BA0] =	vst v1  }
0x22: {  	[tilespmem:$0x2BB0] =	vst v1  }
0x23: {  	[tilespmem:$0x2BC0] =	vst v1  }
0x24: {  	[tilespmem:$0x2BD0] =	vst v1  }
0x25: {  	[tilespmem:$0x2BE0] =	vst v1  }
0x26: {  	[tilespmem:$0x2BF0] =	vst v1  }
0x27: {  	[tilespmem:$0x2C00] =	vst v1  }
0x28: {  	[tilespmem:$0x2C10] =	vst v1  }
0x29: {  	[tilespmem:$0x2C20] =	vst v1  }
0x2a: {  	[tilespmem:$0x2C30] =	vst v1  }
0x2b: {  	[tilespmem:$0x2C40] =	vst v1  }
0x2c: {  	[tilespmem:$0x2C50] =	vst v1  }
0x2d: {  	[tilespmem:$0x2C60] =	vst v1  }
0x2e: {  	[tilespmem:$0x2C70] =	vst v1  }
0x2f: {  	[tilespmem:$0x2C80] =	vst v1  }
0x30: {  	[tilespmem:$0x2C90] =	vst v1  }
0x31: {  	[tilespmem:$0x2CA0] =	vst v1  }
0x32: {  	[tilespmem:$0x2CB0] =	vst v1  }
0x33: {  	[tilespmem:$0x2CC0] =	vst v1  }
0x34: {  	[tilespmem:$0x2CD0] =	vst v1  }
0x35: {  	[tilespmem:$0x2CE0] =	vst v1  }
0x36: {  	[tilespmem:$0x2CF0] =	vst v1  }
0x37: {  	[tilespmem:$0x2D00] =	vst v1  }
0x38: {  	[tilespmem:$0x2D10] =	vst v1  }
0x39: {  	[tilespmem:$0x2D20] =	vst v1  }
0x3a: {  	[tilespmem:$0x2D30] =	vst v1  }
0x3b: {  	[tilespmem:$0x2D40] =	vst v1  }
0x3c: {  	[tilespmem:$0x2D50] =	vst v1  }
0x3d: {  	[tilespmem:$0x2D60] =	vst v1  }
0x3e: {  	[tilespmem:$0x2D70] =	vst v1  }
0x3f: {  	[spmem:s4] =	stream.linear.scatter [tilespmem:s8], [sflag:$0x2], $0x280, $0x38;
	[tilespmem:$0x2D80] =	vst v63  }
0x40: {  	_ =	swait.ge [sflag:s9], $0x280  }
0x41: {  	[sflag:s9] =	ssyncset.done $0x0  }
0x42: {  	[sflag:s9] =	ssyncadd.s32 $0xFFFFFD80  }
0x43: {  	[tilespmem:s10], [sflag:$0x2] =	stream.linear.gather [hbm4b:s5+s3], $0x2800, $0x38;
	[tilespmem:$0x2D80] =	vst v63  }
0x44: {  	_ =	swait.ge [sflag:s9], $0x2800  }
0x45: {  	[sflag:s9] =	ssyncset.done $0x0  }
0x46: {  	[sflag:s9] =	ssyncadd.s32 $0xFFFFD800  }
0x47: {  	s19 =	simm.s32 $0x280;
	[bflag:$0x0] =	sbarrier.arrive $0xFFFF  }
0x48: {  	[spmem:s2] =	stream.indirect.scatter.add.f32 [tilespmem:s12], [sflag:$0x1], $0x1, s19, s11, $0xb8;
	[tilespmem:$0x2D80] =	vst v63  }
0x49: {  	s24 =	simm.s32 $0x300  }
0x4a: {  	[spmem:s2] =	stream.indirect.scatter.add.f32 [tilespmem:s12], [sflag:$0x1], $0x1, s24, s11, $0xb8;
	[tilespmem:$0x2D80] =	vst v63  }
0x4b: {  	s25 =	simm.s32 $0x380  }
0x4c: {  	[spmem:s2] =	stream.indirect.scatter.add.f32 [tilespmem:s12], [sflag:$0x1], $0x1, s25, s11, $0xb8;
	[tilespmem:$0x2D80] =	vst v63  }
0x4d: {  	s26 =	simm.s32 $0x400  }
0x4e: {  	[spmem:s2] =	stream.indirect.scatter.add.f32 [tilespmem:s12], [sflag:$0x1], $0x1, s26, s11, $0xb8;
	[tilespmem:$0x2D80] =	vst v63  }
0x4f: {  	s28 =	simm.s32 $0x480  }
0x50: {  	[spmem:s2] =	stream.indirect.scatter.add.f32 [tilespmem:s12], [sflag:$0x1], $0x1, s28, s11, $0xb8;
	[tilespmem:$0x2D80] =	vst v63  }
0x51: {  	s29 =	simm.s32 $0x500  }
0x52: {  	[spmem:s2] =	stream.indirect.scatter.add.f32 [tilespmem:s12], [sflag:$0x1], $0x1, s29, s11, $0xb8;
	[tilespmem:$0x2D80] =	vst v63  }
0x53: {  	s30 =	simm.s32 $0x580  }
0x54: {  	[spmem:s2] =	stream.indirect.scatter.add.f32 [tilespmem:s12], [sflag:$0x1], $0x1, s30, s11, $0xb8;
	[tilespmem:$0x2D80] =	vst v63  }
0x55: {  	s31 =	simm.s32 $0x600  }
0x56: {  	[spmem:s2] =	stream.indirect.scatter.add.f32 [tilespmem:s12], [sflag:$0x1], $0x1, s31, s11, $0xb8;
	[tilespmem:$0x2D80] =	vst v63  }
0x57: {  	_ =	swait.ge [sflag:s13], $0x80  }
0x58: {  	[sflag:s13] =	ssyncset.done $0x0  }
0x59: {  	[sflag:s13] =	ssyncadd.s32 $0xFFFFFF80  }
0x5a: {  	_ =	swait.ge [sflag:s13], $0x80  }
0x5b: {  	[sflag:s13] =	ssyncset.done $0x0  }
0x5c: {  	[sflag:s13] =	ssyncadd.s32 $0xFFFFFF80  }
0x5d: {  	_ =	swait.ge [sflag:s13], $0x80  }
0x5e: {  	[sflag:s13] =	ssyncset.done $0x0  }
0x5f: {  	[sflag:s13] =	ssyncadd.s32 $0xFFFFFF80  }
0x60: {  	_ =	swait.ge [sflag:s13], $0x80  }
0x61: {  	[sflag:s13] =	ssyncset.done $0x0  }
0x62: {  	[sflag:s13] =	ssyncadd.s32 $0xFFFFFF80  }
0x63: {  	_ =	swait.ge [sflag:s13], $0x80  }
0x64: {  	[sflag:s13] =	ssyncset.done $0x0  }
0x65: {  	[sflag:s13] =	ssyncadd.s32 $0xFFFFFF80  }
0x66: {  	_ =	swait.ge [sflag:s13], $0x80  }
0x67: {  	[sflag:s13] =	ssyncset.done $0x0  }
0x68: {  	[sflag:s13] =	ssyncadd.s32 $0xFFFFFF80  }
0x69: {  	_ =	swait.ge [sflag:s13], $0x80  }
0x6a: {  	[sflag:s13] =	ssyncset.done $0x0  }
0x6b: {  	[sflag:s13] =	ssyncadd.s32 $0xFFFFFF80  }
0x6c: {  	_ =	swait.ge [sflag:s13], $0x80  }
0x6d: {  	s22 =	simm.s32 $0x2000;
	s21 =	simm.s32 $0x400;
	[sflag:s13] =	ssyncset.done $0x0  }
.LBB2_2:
0x6e: {  	s23 =	sadd.s32 $0x280, s21  }
0x6f: {  	[sflag:s13] =	ssyncadd.s32 $0xFFFFFF80;
	s20 =	smov.u32 s22;
	s19 =	sadd.s32 $0x1000, s22  }
0x70: {  	[spmem:s2] =	stream.indirect.scatter.add.f32 [tilespmem:s12], [sflag:$0x1], $0x1, s23, s11, $0xb8;
	[tilespmem:$0x2D80] =	vst v63  }
0x71: {  	p0 =	sne.s32 s22, $0x9000;
	s22 =	sadd.s32 $0x300, s21  }
0x72: {  	[spmem:s2] =	stream.indirect.scatter.add.f32 [tilespmem:s12], [sflag:$0x1], $0x1, s22, s11, $0xb8;
	[tilespmem:$0x2D80] =	vst v63  }
0x73: {  	s22 =	sadd.s32 $0x380, s21  }
0x74: {  	[spmem:s2] =	stream.indirect.scatter.add.f32 [tilespmem:s12], [sflag:$0x1], $0x1, s22, s11, $0xb8;
	[tilespmem:$0x2D80] =	vst v63  }
0x75: {  	s22 =	sadd.s32 $0x400, s21  }
0x76: {  	[spmem:s2] =	stream.indirect.scatter.add.f32 [tilespmem:s12], [sflag:$0x1], $0x1, s22, s11, $0xb8;
	[tilespmem:$0x2D80] =	vst v63  }
0x77: {  	s22 =	sadd.s32 $0x480, s21  }
0x78: {  	[spmem:s2] =	stream.indirect.scatter.add.f32 [tilespmem:s12], [sflag:$0x1], $0x1, s22, s11, $0xb8;
	[tilespmem:$0x2D80] =	vst v63  }
0x79: {  	s22 =	sadd.s32 $0x500, s21  }
0x7a: {  	[spmem:s2] =	stream.indirect.scatter.add.f32 [tilespmem:s12], [sflag:$0x1], $0x1, s22, s11, $0xb8;
	[tilespmem:$0x2D80] =	vst v63  }
0x7b: {  	s22 =	sadd.s32 $0x580, s21  }
0x7c: {  	[spmem:s2] =	stream.indirect.scatter.add.f32 [tilespmem:s12], [sflag:$0x1], $0x1, s22, s11, $0xb8;
	[tilespmem:$0x2D80] =	vst v63  }
0x7d: {  	s21 =	sadd.s32 $0x600, s21  }
0x7e: {  	[spmem:s2] =	stream.indirect.scatter.add.f32 [tilespmem:s12], [sflag:$0x1], $0x1, s21, s11, $0xb8;
	[tilespmem:$0x2D80] =	vst v63  }
0x7f: {  	_ =	swait.ge [sflag:s13], $0x80  }
0x80: {  	[sflag:s13] =	ssyncset.done $0x0  }
0x81: {  	[sflag:s13] =	ssyncadd.s32 $0xFFFFFF80  }
0x82: {  	_ =	swait.ge [sflag:s13], $0x80  }
0x83: {  	[sflag:s13] =	ssyncset.done $0x0  }
0x84: {  	[sflag:s13] =	ssyncadd.s32 $0xFFFFFF80  }
0x85: {  	_ =	swait.ge [sflag:s13], $0x80  }
0x86: {  	[sflag:s13] =	ssyncset.done $0x0  }
0x87: {  	[sflag:s13] =	ssyncadd.s32 $0xFFFFFF80  }
0x88: {  	_ =	swait.ge [sflag:s13], $0x80  }
0x89: {  	[sflag:s13] =	ssyncset.done $0x0  }
0x8a: {  	[sflag:s13] =	ssyncadd.s32 $0xFFFFFF80  }
0x8b: {  	_ =	swait.ge [sflag:s13], $0x80  }
0x8c: {  	[sflag:s13] =	ssyncset.done $0x0  }
0x8d: {  	[sflag:s13] =	ssyncadd.s32 $0xFFFFFF80  }
0x8e: {  	_ =	swait.ge [sflag:s13], $0x80  }
0x8f: {  	[sflag:s13] =	ssyncset.done $0x0  }
0x90: {  	[sflag:s13] =	ssyncadd.s32 $0xFFFFFF80  }
.Ltmp0:
0x91: {  	_ =	swait.ge [sflag:s13], $0x80;
	(pc) =	sbr.rel @p0 .LBB2_2-.Ltmp0, $4  }
0x92: {  	[sflag:s13] =	ssyncset.done $0x0  }
0x93: {  	[sflag:s13] =	ssyncadd.s32 $0xFFFFFF80  }
0x94: {  	_ =	swait.ge [sflag:s13], $0x80  }
0x95: {  	s22 =	smov.u32 s19;
	s21 =	sshra.s32 s20, $0x2;
	[sflag:s13] =	ssyncset.done $0x0  }
0x96: {  	s19 =	sadd.s32 $0x280, s21;
	[sflag:s13] =	ssyncadd.s32 $0xFFFFFF80  }
0x97: {  	[spmem:s2] =	stream.indirect.scatter.add.f32 [tilespmem:s12], [sflag:$0x1], $0x1, s19, s11, $0xb8;
	[tilespmem:$0x2D80] =	vst v63  }
0x98: {  	s24 =	sadd.s32 $0x300, s21  }
0x99: {  	[spmem:s2] =	stream.indirect.scatter.add.f32 [tilespmem:s12], [sflag:$0x1], $0x1, s24, s11, $0xb8;
	[tilespmem:$0x2D80] =	vst v63  }
0x9a: {  	s25 =	sadd.s32 $0x380, s21  }
0x9b: {  	[spmem:s2] =	stream.indirect.scatter.add.f32 [tilespmem:s12], [sflag:$0x1], $0x1, s25, s11, $0xb8;
	[tilespmem:$0x2D80] =	vst v63  }
0x9c: {  	s26 =	sadd.s32 $0x400, s21  }
0x9d: {  	[spmem:s2] =	stream.indirect.scatter.add.f32 [tilespmem:s12], [sflag:$0x1], $0x1, s26, s11, $0xb8;
	[tilespmem:$0x2D80] =	vst v63  }
0x9e: {  	s28 =	sadd.s32 $0x480, s21  }
0x9f: {  	[spmem:s2] =	stream.indirect.scatter.add.f32 [tilespmem:s12], [sflag:$0x1], $0x1, s28, s11, $0xb8;
	[tilespmem:$0x2D80] =	vst v63  }
0xa0: {  	s29 =	sadd.s32 $0x500, s21  }
0xa1: {  	[spmem:s2] =	stream.indirect.scatter.add.f32 [tilespmem:s12], [sflag:$0x1], $0x1, s29, s11, $0xb8;
	[tilespmem:$0x2D80] =	vst v63  }
0xa2: {  	s30 =	sadd.s32 $0x580, s21  }
0xa3: {  	[spmem:s2] =	stream.indirect.scatter.add.f32 [tilespmem:s12], [sflag:$0x1], $0x1, s30, s11, $0xb8;
	[tilespmem:$0x2D80] =	vst v63  }
0xa4: {  	s31 =	sadd.s32 $0x600, s21  }
0xa5: {  	[spmem:s2] =	stream.indirect.scatter.add.f32 [tilespmem:s12], [sflag:$0x1], $0x1, s31, s11, $0xb8;
	[tilespmem:$0x2D80] =	vst v63  }
0xa6: {  	_ =	swait.ge [sflag:s13], $0x80  }
0xa7: {  	[sflag:s13] =	ssyncset.done $0x0  }
0xa8: {  	[sflag:s13] =	ssyncadd.s32 $0xFFFFFF80  }
0xa9: {  	_ =	swait.ge [sflag:s13], $0x80  }
0xaa: {  	[sflag:s13] =	ssyncset.done $0x0  }
0xab: {  	[sflag:s13] =	ssyncadd.s32 $0xFFFFFF80  }
0xac: {  	_ =	swait.ge [sflag:s13], $0x80  }
0xad: {  	[sflag:s13] =	ssyncset.done $0x0  }
0xae: {  	[sflag:s13] =	ssyncadd.s32 $0xFFFFFF80  }
0xaf: {  	_ =	swait.ge [sflag:s13], $0x80  }
0xb0: {  	[sflag:s13] =	ssyncset.done $0x0  }
0xb1: {  	[sflag:s13] =	ssyncadd.s32 $0xFFFFFF80  }
0xb2: {  	_ =	swait.ge [sflag:s13], $0x80  }
0xb3: {  	[sflag:s13] =	ssyncset.done $0x0  }
0xb4: {  	[sflag:s13] =	ssyncadd.s32 $0xFFFFFF80  }
0xb5: {  	_ =	swait.ge [sflag:s13], $0x80  }
0xb6: {  	[sflag:s13] =	ssyncset.done $0x0  }
0xb7: {  	[sflag:s13] =	ssyncadd.s32 $0xFFFFFF80  }
0xb8: {  	_ =	swait.ge [sflag:s13], $0x80  }
0xb9: {  	[sflag:s13] =	ssyncset.done $0x0  }
0xba: {  	[sflag:s13] =	ssyncadd.s32 $0xFFFFFF80  }
0xbb: {  	_ =	swait.ge [sflag:s13], $0x80  }
0xbc: {  	s18 =	sadd.s32 $0x1, s18;
	[sflag:s13] =	ssyncset.done $0x0  }
0xbd: {  	p0 =	sne.s32 s18, s7;
	[sflag:s13] =	ssyncadd.s32 $0xFFFFFF80  }
.Ltmp1:
0xbe: {  	[bflag:$0x0] =	sbarrier.arrive $0xFFFF;
	(pc) =	sbr.rel @p0 .LBB2_1-.Ltmp1, $4  }
0xbf: {  	[hbm:s6@s16], [sflag:s14] =	dma.strided [spmem:s15@s17], $0x50, s13, $0x10   }
0xc0: {  	_ =	swait.ge [sflag:s9], $0x50  }
0xc1: {  	[sflag:s9] =	ssyncset.done $0x0  }
0xc2: {  	[sflag:s9] =	ssyncadd.s32 $0xFFFFFFB0  }
0xc3: {  	_ =	sfence.sel $0x180000  }
0xc4: {  	[bflag:$0x0] =	sbarrier.arrive $0xFFFF  }
0xc5: {  	p0 =	sne.s32 s0, $0x0;
	_ =	strace $0x90000047  }
0xc6: {  	s0 =	sadd.s32 @!p0 $0x100000, s1;
	[bflag:$0x2] =	sbarrier.arrive $0xFFFF  }
0xc7: {  	[sflag:s0] =	ssyncadd.tile.s32 @!p0 $0x1;
	_ =	shalt  }
.Lfunc_end2:
_tile_overlayer_lowered:
.L_overlay_start_2:
0xc8: {  	(tag) =	ssettag $0x2  }
0xc9: {  	s0 =	rddreg [dreg:$0x0];
	s2 =	stileid.u32  }
0xca: {  	s1 =	rddreg [dreg:$0x1];
	p0 =	sne.s32 s2, $0x0  }
0xcb: {  	s3 =	rddreg [dreg:$0x2];
	[bflag:$0x3] =	sbarrier.arrive $0xFFFF;
	s2 =	simm.s32 @!p0 $0x1C02  }
0xcc: {  	[timem:s3], [sflag:s2] =	dma.local @!p0 [hbm:s0], s1  }
0xcd: {  	s0 =	simm.s32 @!p0 $0x2  }
0xce: {  	_ =	swait.ge @!p0 [sflag:s0], s1  }
0xcf: {  	s1 =	ssub.s32 @!p0 $0x0, s1;
	[sflag:s0] =	ssyncset.done @!p0 $0x0  }
0xd0: {  	[sflag:s0] =	ssyncadd.s32 @!p0 s1  }
0xd1: {  	[bflag:$0x3] =	sbarrier.arrive $0xFFFF  }
0xd2: {  	_ =	shalt  }

// kernel: kernel.9.cloned.1.call-start
scs
__scs_entry_jumppad:
0x0: {  	(pc) =	sbr.rel $0x88, $3  }
0x1: {  	(tag) =	ssettag $0x0;
	lr =	simm.s32 $0x1  }
0x2: {  	[smem:$0x3F9D] =	sst lr;
	_ =	strace $0xD0000000  }
0x3: {  	_ = 	snop  }
0x4: {  	_ = 	snop  }
0x5: {  	_ = 	snop  }
0x6: {  	_ = 	snop  }
0x7: {  	_ = 	snop  }
__scs_overlays_trampoline_lowered:
0x8: {  	[smem:$0x3FAC] =	sst s0  }
0x9: {  	[smem:$0x3FAD] =	sst s1  }
0xa: {  	[smem:$0x3FAE] =	sst s2  }
0xb: {  	[smem:$0x3FAF] =	sst s3  }
0xc: {  	[smem:$0x3FB0] =	sst s4  }
0xd: {  	[smem:$0x3FB1] =	sst s5  }
0xe: {  	[smem:$0x3FB2] =	sst s6  }
0xf: {  	[smem:$0x3FB3] =	sst s7  }
0x10: {  	[smem:$0x3FB4] =	sst s8  }
0x11: {  	[smem:$0x3FB5] =	sst s9;
	s0 =	simm.s32 @!p0 $0x0  }
0x12: {  	s1 =	sld [smem:$0x3F9B];
	s0 =	simm.s32 @p0 $0x1  }
0x13: {  	[smem:$0x3FB6] =	sst s0;
	s0 =	simm.s32 @!p1 $0x0  }
0x14: {  	s2 =	sld [smem:$0x3F9A];
	s0 =	simm.s32 @p1 $0x1  }
0x15: {  	[smem:$0x3FB7] =	sst s0;
	s0 =	simm.s32 @!p2 $0x0  }
0x16: {  	s3 =	sld [smem:$0x3FDB];
	s0 =	simm.s32 @p2 $0x1  }
0x17: {  	s4 =	simm.s32 $0x1BF5;
	[smem:$0x3FB9] =	sst s0  }
0x18: {  	s0 =	sld [smem:$0x3F9C];
	_ =	swait.ge [sflag:s4], $0x0  }
0x19: {  	s7 =	sld [smem:$0x3F9D]  }
0x1a: {  	s8 =	sadd.s32 $0xFFFFE003, lr  }
0x1b: {  	s9 =	sadd.s32 $0xFFFFFEF7, lr;
	s5 =	simm.s32 $0xFFFFFFFF;
	p2 =	slt.u32 s8, $0xFFFFF086  }
0x1c: {  	p1 =	slt.u32 s9, $0xF7A;
	s5 =	simm.s32 @!p2 $0x0  }
0x1d: {  	s5 =	simm.s32 @p1 $0x1;
	p0 =	seq.s32 s7, s2  }
0x1e: {  	s7 =	smul.u32 @!p0 $0xF7A, s2;
	p2 =	seq.s32 @!p0 s5, $0x0  }
0x1f: {  	s9 =	smul.u32 $0xF7A, s1;
	s8 =	simm.s32 @!p0 $0x1BF5;
	p2 =	por !p2, p0  }
0x20: {  	[sflag:s8] =	ssyncset.s32 @!p0 $0xFFFFF086;
	s6 =	sadd.s32 @!p0 s3, s7;
	s7 =	simm.s32 @!p0 $0x108  }
0x21: {  	s3 =	sadd.s32 s3, s9;
	s6 =	sadd.s32 @!p0 $0x88, s6;
	s7 =	simm.s32 @p2 $0x1082  }
0x22: {  	[simem:s7], [sflag:s8] =	dma.local @!p0 [hbm:s6], $0xF7A  }
0x23: {  	s9 =	sor.u32 $0xD0000000, s2;
	s6 =	simm.s32 $0x108;
	_ =	swait.ge @!p0 [sflag:s8], $0x0  }
0x24: {  	s3 =	sadd.s32 $0x88, s3;
	s6 =	simm.s32 @!p1 $0x1082;
	[sflag:s4] =	ssyncset.s32 $0xFFFFF086  }
0x25: {  	[simem:s6], [sflag:s4] =	dma.local [hbm:s3], $0xF7A  }
0x26: {  	[smem:$0x3F9D] =	sst s1;
	(tag) =	ssettag s2;
	_ =	strace s9  }
0x27: {  	s1 =	sld [smem:$0x3FAD]  }
0x28: {  	s2 =	sld [smem:$0x3FAE]  }
0x29: {  	s4 =	sld [smem:$0x3FB0]  }
0x2a: {  	p0 =	seq.s32 s5, $0x0;
	s5 =	sld [smem:$0x3FB1]  }
0x2b: {  	s6 =	sld [smem:$0x3FB2]  }
0x2c: {  	s7 =	sld [smem:$0x3FB3]  }
0x2d: {  	s3 =	simm.s32 $0x108;
	s8 =	sld [smem:$0x3FB4]  }
0x2e: {  	s3 =	simm.s32 @!p0 $0x1082;
	s9 =	sld [smem:$0x3FB5]  }
0x2f: {  	lr =	sadd.s32 s0, s3;
	s0 =	sld [smem:$0x3FAC]  }
0x30: {  	s3 =	sld [smem:$0x3FAF]  }
0x31: {  	[smem:$0x3FB8] =	sst s10  }
0x32: {  	s10 =	sld [smem:$0x3FB6];
	_ =	sdelay $0x3  }
0x33: {  	p0 =	seq.s32 s10, $0x1;
	s10 =	sld [smem:$0x3FB8];
	_ =	sdelay $0x3  }
0x34: {  	[smem:$0x3FB8] =	sst s10  }
0x35: {  	s10 =	sld [smem:$0x3FB7];
	_ =	sdelay $0x3  }
0x36: {  	p1 =	seq.s32 s10, $0x1;
	s10 =	sld [smem:$0x3FB8];
	_ =	sdelay $0x3  }
0x37: {  	[smem:$0x3FB8] =	sst s10  }
0x38: {  	s10 =	sld [smem:$0x3FB9]  }
0x39: {  	_ = 	snop;
	(pc) =	sbr.ind lr, $3  }
0x3a: {  	_ = 	snop  }
0x3b: {  	_ = 	snop  }
0x3c: {  	p2 =	seq.s32 s10, $0x1;
	s10 =	sld [smem:$0x3FB8]  }
0x3d: {  	_ =	shalt  }
0x3e: {  	_ =	shalt  }
0x3f: {  	_ =	shalt  }
0x40: {  	_ =	shalt  }
0x41: {  	_ =	shalt  }
0x42: {  	_ =	shalt  }
0x43: {  	_ =	shalt  }
0x44: {  	_ =	shalt  }
0x45: {  	_ =	shalt  }
0x46: {  	_ =	shalt  }
0x47: {  	_ =	shalt  }
0x48: {  	_ =	shalt  }
0x49: {  	_ =	shalt  }
0x4a: {  	_ =	shalt  }
0x4b: {  	_ =	shalt  }
0x4c: {  	_ =	shalt  }
0x4d: {  	_ =	shalt  }
0x4e: {  	_ =	shalt  }
0x4f: {  	_ =	shalt  }
0x50: {  	_ =	shalt  }
0x51: {  	_ =	shalt  }
0x52: {  	_ =	shalt  }
0x53: {  	_ =	shalt  }
0x54: {  	_ =	shalt  }
0x55: {  	_ =	shalt  }
0x56: {  	_ =	shalt  }
0x57: {  	_ =	shalt  }
0x58: {  	_ =	shalt  }
0x59: {  	_ =	shalt  }
0x5a: {  	_ =	shalt  }
0x5b: {  	_ =	shalt  }
0x5c: {  	_ =	shalt  }
0x5d: {  	_ =	shalt  }
0x5e: {  	_ =	shalt  }
0x5f: {  	_ =	shalt  }
0x60: {  	_ =	shalt  }
0x61: {  	_ =	shalt  }
0x62: {  	_ =	shalt  }
0x63: {  	_ =	shalt  }
0x64: {  	_ =	shalt  }
0x65: {  	_ =	shalt  }
0x66: {  	_ =	shalt  }
0x67: {  	_ =	shalt  }
0x68: {  	_ =	shalt  }
0x69: {  	_ =	shalt  }
0x6a: {  	_ =	shalt  }
0x6b: {  	_ =	shalt  }
0x6c: {  	_ =	shalt  }
0x6d: {  	_ =	shalt  }
0x6e: {  	_ =	shalt  }
0x6f: {  	_ =	shalt  }
0x70: {  	_ =	shalt  }
0x71: {  	_ =	shalt  }
0x72: {  	_ =	shalt  }
0x73: {  	_ =	shalt  }
0x74: {  	_ =	shalt  }
0x75: {  	_ =	shalt  }
0x76: {  	_ =	shalt  }
0x77: {  	_ =	shalt  }
0x78: {  	_ =	shalt  }
0x79: {  	_ =	shalt  }
0x7a: {  	_ =	shalt  }
0x7b: {  	_ =	shalt  }
0x7c: {  	_ =	shalt  }
0x7d: {  	_ =	shalt  }
0x7e: {  	_ =	shalt  }
0x7f: {  	_ =	shalt  }
0x80: {  	_ =	shalt  }
0x81: {  	_ =	shalt  }
0x82: {  	_ =	shalt  }
0x83: {  	_ =	shalt  }
0x84: {  	_ =	shalt  }
0x85: {  	_ =	shalt  }
0x86: {  	_ =	shalt  }
0x87: {  	_ =	shalt  }
.Lfunc_end0:
.L_simem_size_0:
called_computation.1_lowered:
.L_overlay_start_0:
0x88: {  	s2 =	sld [smem:$0x3FD9]  }
0x89: {  	s3 =	sld [smem:$0x3FFE];
	_ =	sdelay $0x1  }
0x8a: {  	s1 =	srdreg.scid  }
0x8b: {  	s0 =	sand.u32 $0x1, s1  }
0x8c: {  	s17 =	sshll.u32 s0, $0xA;
	s2 =	sadd.s32 s3, s2  }
0x8d: {  	s2 =	sadd.s32 s2, s17  }
0x8e: {  	[smem:$0x3FC4] =	sst s2  }
0x8f: {  	_ = 	snop  }
0x90: {  	s2 =	sld [smem:$0x3FD0];
	(tm) =	ssettm $0x1  }
0x91: {  	s18 =	sld [smem:$0x3FFB];
	_ =	sdelay $0x3  }
0x92: {  	_ =	strace s18  }
0x93: {  	s3 =	sld [smem:$0x3FFC];
	_ =	sdelay $0x3  }
0x94: {  	_ =	strace s3  }
0x95: {  	s3 =	sld [smem:$0x3FFD];
	_ =	sdelay $0x3  }
0x96: {  	_ =	strace s3  }
0x97: {  	_ =	strace $0x8FFFFFFF  }
0x98: {  	s19 =	sld [smem:$0x3FDB];
	_ =	sdelay $0x1  }
0x99: {  	s4 =	simm.s32 $_scs_section_size  }
0x9a: {  	s5 =	simm.s32 $_size__tile_overlayer_lowered;
	s6 =	simm.s32 $_tile_overlayer_lowered  }
0x9b: {  	s22 =	simm.s32 $0x1BFF;
	s21 =	sshll.u32 s6, $0x1;
	s3 =	sadd.s32 s4, s19  }
0x9c: {  	s7 =	simm.s32 $0x0;
	s20 =	sshll.u32 s5, $0x1;
	s5 =	sadd.s32 s21, s3  }
0x9d: {  	[timem:s7], [sflag:s22] =	dma.local [hbm:s5], s20  }
0x9e: {  	_ =	swait.ge [sflag:s22], s20  }
0x9f: {  	s4 =	ssub.s32 $0x0, s20;
	[sflag:s22] =	ssyncset.done $0x0  }
0xa0: {  	[sflag:s22] =	ssyncadd.s32 s4;
	_ =	sdelay $0x1  }
0xa1: {  	s23 =	simm.s32 $0x1B8B  }
0xa2: {  	_ =	swait.ge [sflag:s23], $0x1  }
0xa3: {  	[sflag:s23] =	ssyncset.done $0x0  }
0xa4: {  	s25 =	simm.s32 $0x1B8E;
	s24 =	sld [smem:$0x3FFE];
	[sflag:s23] =	ssyncadd.s32 $0xFFFFFFFF  }
0xa5: {  	s26 =	simm.s32 $execute0_lowered;
	[smem:$0x3FD2] =	sst s25  }
0xa6: {  	s5 =	sshll.u32 s26, $0x1;
	_ =	strace $0x80000049;
	[dreg:$0x1] =	wrdreg $0xFFFFFFFF  }
0xa7: {  	s28 =	simm.s32 $_size_execute0_lowered;
	s3 =	sadd.s32 s3, s5;
	[dreg:$0x0] =	wrdreg $0x0  }
0xa8: {  	s5 =	sshll.u32 s28, $0x1;
	[dreg:$0x2] =	wrdreg s3  }
0xa9: {  	[dreg:$0x3] =	wrdreg s5  }
0xaa: {  	[dreg:$0x4] =	wrdreg $0xC0  }
0xab: {  	_ =	task [dreg:s7], $0x5FFFF  }
0xac: {  	[dreg:$0x1] =	wrdreg $0xFFFFFFFF  }
0xad: {  	[dreg:$0x0] =	wrdreg $0x60  }
0xae: {  	[dreg:$0x2] =	wrdreg s24  }
0xaf: {  	[dreg:$0x3] =	wrdreg s2  }
0xb0: {  	[dreg:$0x4] =	wrdreg $0x0  }
0xb1: {  	[dreg:$0x5] =	wrdreg $0x9  }
0xb2: {  	_ =	task.clear_ibuf [dreg:s7], $0x6FFFF;
	_ =	strace $0x90000049  }
0xb3: {  	s29 =	simm.s32 $0x9;
	_ =	strace $0x8000004B  }
0xb4: {  	_ =	swait.ge [sflag:s29], $0x1  }
0xb5: {  	[sflag:s29] =	ssyncadd.s32 $0xFFFFFFFF  }
0xb6: {  	_ =	strace $0x9000004B  }
0xb7: {  	_ =	sfence  }
0xb8: {  	s30 =	sld [smem:$0x0];
	_ =	sdelay $0x2  }
0xb9: {  	s31 =	sshll.u32 s1, $0xD;
	s1 =	sshrl.u32 s1, $0x2  }
0xba: {  	s3 =	sand.u32 $0x4000, s31;
	s1 =	sadd.s32 s1, s30  }
0xbb: {  	s0 =	sor.u32 s3, s0;
	s1 =	sshll.u32 s1, $0x11  }
0xbc: {  	s0 =	sor.u32 s1, s0  }
0xbd: {  	s0 =	sadd.s32 $0x8F2B, s0  }
0xbe: {  	[sflag:s0] =	ssyncadd.remote.s32 $0x1  }
0xbf: {  	_ =	sfence.sel $0xFFFF  }
0xc0: {  	[dreg:$0x0] =	wrdreg $0xFFFFFFFF;
	(pc) =	sbr.abs _section_cstart, $3  }
0xc1: {  	[dreg:$0x1] =	wrdreg $0xFFFFFFFF  }
0xc2: {  	_ =	task.clear_ibuf [dreg:s7], $0x2FFFF;
	_ =	strace $0x9FFFFFFF  }
0xc3: {  	(tm) =	ssettm $0x7FFFFFFF  }
tec
execute0_lowered:
.L_overlay_start_1:
0x0: {  	(tag) =	ssettag $0x1  }
0x1: {  	s0 =	rddreg [dreg:$0x0]  }
0x2: {  	s2 =	rddreg [dreg:$0x1]  }
0x3: {  	s1 =	rddreg [dreg:$0x2];
	s15 =	stileid.u32  }
0x4: {  	s4 =	srdreg.scid;
	s3 =	simm.s32 $0x0;
	s8 =	smul.u32 $0x14000, s15  }
0x5: {  	s28 =	simm.s32 $0x14100;
	s29 =	simm.s32 $0x2;
	s10 =	smul.u32 $0x50000, s15  }
0x6: {  	s30 =	simm.s32 $0x14480;
	s31 =	simm.s32 $0x14180;
	s22 =	smul.u32 $0x2800, s15  }
0x7: {  	s5 =	sand.u32 $0x1, s4;
	[smem:$0x7FF] =	sst s3;
	s23 =	smul.u32 $0x500, s15  }
0x8: {  	s4 =	sadd.s32 $0xB600, s0;
	s11 =	sadd.s32 $0x33600, s0;
	s6 =	smul.u32 $0x5000, s5  }
0x9: {  	s7 =	smul.u32 $0x140000, s5;
	_ =	strace $0x8000004A;
	s19 =	ssub.s32 $0x2, s5  }
0xa: {  	[dreg:$0x5] =	wrdreg s11;
	p0 =	sne.s32 s5, $0x0;
	s20 =	sshrl.u32 s19, $0x1  }
0xb: {  	s10 =	sshrl.u32 s10, $0x2;
	s9 =	sadd.s32 s6, s0;
	s7 =	sadd.s32 s8, s7  }
0xc: {  	s21 =	ssub.s32 s19, s20;
	s16 =	sadd.s32 s10, s1;
	s10 =	sadd.s32 s4, s22  }
0xd: {  	s24 =	sadd.s32 s6, s2;
	s2 =	sshll.u32 @p0 s15, $0x6;
	s19 =	simm.s32 $0x14000  }
0xe: {  	s20 =	simm.s32 $0x3;
	s22 =	simm.s32 $0x80;
	s6 =	simm.s32 $0x0  }
0xf: {  	s7 =	sshrl.u32 s7, $0x3;
	s8 =	sadd.s32 $0x4000, s16;
	s12 =	sadd.s32 $0x8000, s16  }
0x10: {  	s13 =	sadd.s32 $0xC000, s16;
	s14 =	sadd.s32 $0x10000, s16;
	[dreg:$0x7] =	wrdreg s10  }
0x11: {  	s25 =	smax.u32 s21, $0x1;
	s26 =	sadd.s32 s23, s9;
	[dreg:$0x6] =	wrdreg s16  }
0x12: {  	s21 =	simm.s32 $0x14400;
	s9 =	simm.s32 $0x14600;
	s0 =	sadd.s32 s7, s0  }
0x13: {  	[dreg:$0x9] =	wrdreg s25;
	s10 =	sadd.s32 $0x1600, s26;
	s0 =	sadd.s32 $0x33E00, s0  }
0x14: {  	s25 =	simm.s32 $0x18800;
	[dreg:$0x8] =	wrdreg s0;
	s0 =	sadd.s32 s23, s24  }
0x15: {  	s26 =	simm.s32 $0x1;
	[dreg:$0x4] =	wrdreg s0;
	s0 =	sor.u32 @p0 $0x1C03, s2  }
0x16: {  	s7 =	simm.s32 $0x14580;
	s2 =	sshrl.u32 @p0 s13, $0x3;
	[dreg:$0xa] =	wrdreg s0  }
0x17: {  	s23 =	simm.s32 $0x14800;
	s0 =	sshrl.u32 @p0 s16, $0x3;
	[dreg:$0xe] =	wrdreg s2  }
0x18: {  	s24 =	simm.s32 $0x14080;
	s2 =	sshrl.u32 @p0 s14, $0x3;
	[dreg:$0xb] =	wrdreg s0  }
0x19: {  	s13 =	simm.s32 $0x14680;
	s0 =	sshrl.u32 @p0 s8, $0x3;
	[dreg:$0xf] =	wrdreg s2  }
0x1a: {  	s14 =	simm.s32 $0x14380;
	[dreg:$0xc] =	wrdreg s0;
	s0 =	sshrl.u32 @p0 s12, $0x3  }
0x1b: {  	s2 =	simm.s32 $0x14200;
	[dreg:$0xd] =	wrdreg s0;
	s0 =	sshll.u32 @!p0 s15, $0x6  }
0x1c: {  	s8 =	simm.s32 $0x14280;
	s12 =	simm.s32 $0x14300;
	s0 =	sor.u32 @!p0 $0x1C03, s0  }
0x1d: {  	s15 =	simm.s32 $0x14700;
	[dreg:$0x10] =	wrdreg s0;
	s0 =	sshrl.u32 @!p0 s16, $0x3  }
0x1e: {  	s16 =	simm.s32 $0x14780;
	[dreg:$0x11] =	wrdreg s0;
	s0 =	simm.s32 $0x14500  }
.LBB2_1:
0x1f: {  	[dreg:$0x12] =	wrdreg s6  }
0x20: {  	s6 =	rddreg [dreg:$0x5]  }
0x21: {  	s11 =	rddreg [dreg:$0xa]  }
0x22: {  	s5 =	rddreg [dreg:$0xb]  }
0x23: {  	[spmem:s5], [sflag:s11] =	dma.local @p0 [hbm:s6], $0x800  }
0x24: {  	s5 =	simm.s32 @p0 $0x3  }
0x25: {  	_ =	swait.ge @p0 [sflag:s5], $0x800  }
0x26: {  	[sflag:s5] =	ssyncset.done @p0 $0x0  }
0x27: {  	s17 =	rddreg [dreg:$0xc];
	[sflag:s5] =	ssyncadd.s32 @p0 $0xFFFFF800  }
0x28: {  	[spmem:s17], [sflag:s11] =	dma.local @p0 [hbm:s6], $0x800  }
0x29: {  	_ =	swait.ge @p0 [sflag:s5], $0x800  }
0x2a: {  	[sflag:s5] =	ssyncset.done @p0 $0x0  }
0x2b: {  	s17 =	rddreg [dreg:$0xd];
	[sflag:s5] =	ssyncadd.s32 @p0 $0xFFFFF800  }
0x2c: {  	[spmem:s17], [sflag:s11] =	dma.local @p0 [hbm:s6], $0x800  }
0x2d: {  	_ =	swait.ge @p0 [sflag:s5], $0x800  }
0x2e: {  	[sflag:s5] =	ssyncset.done @p0 $0x0  }
0x2f: {  	s17 =	rddreg [dreg:$0xe];
	[sflag:s5] =	ssyncadd.s32 @p0 $0xFFFFF800  }
0x30: {  	[spmem:s17], [sflag:s11] =	dma.local @p0 [hbm:s6], $0x800  }
0x31: {  	_ =	swait.ge @p0 [sflag:s5], $0x800  }
0x32: {  	[sflag:s5] =	ssyncset.done @p0 $0x0  }
0x33: {  	s17 =	rddreg [dreg:$0xf];
	[sflag:s5] =	ssyncadd.s32 @p0 $0xFFFFF800  }
0x34: {  	[spmem:s17], [sflag:s11] =	dma.local @p0 [hbm:s6], $0x800  }
0x35: {  	_ =	swait.ge @p0 [sflag:s5], $0x800  }
0x36: {  	s6 =	rddreg [dreg:$0x10]  }
0x37: {  	[sflag:s5] =	ssyncset.done @p0 $0x0;
	s11 =	rddreg [dreg:$0x11]  }
0x38: {  	[sflag:s5] =	ssyncadd.s32 @p0 $0xFFFFF800;
	s5 =	rddreg [dreg:$0x7]  }
0x39: {  	[spmem:s11], [sflag:s6] =	dma.local @!p0 [hbm:s5], $0x2800  }
0x3a: {  	s5 =	simm.s32 @!p0 $0x3  }
0x3b: {  	_ =	swait.ge @!p0 [sflag:s5], $0x2800  }
0x3c: {  	[sflag:s5] =	ssyncset.done @!p0 $0x0  }
0x3d: {  	[sflag:s5] =	ssyncadd.s32 @!p0 $0xFFFFD800  }
0x3e: {  	s17 =	sadd.s32 $0x0, s10;
	[bflag:$0x0] =	sbarrier.arrive $0xFFFF  }
0x3f: {  	[tilespmem:s19], [sflag:$0x3] =	stream.linear.gather [hbm4b:s17+s3], $0x400, $0x38;
	[tilespmem:$0x1C800] =	vst v63  }
0x40: {  	_ =	swait.ge [sflag:s20], $0x400  }
0x41: {  	s18 =	rddreg [dreg:$0x4];
	[sflag:s20] =	ssyncset.done $0x0  }
0x42: {  	[sflag:s20] =	ssyncadd.s32 $0xFFFFFC00;
	s5 =	sadd.s32 $0x0, s18  }
0x43: {  	[tilespmem:s21], [sflag:$0x3] =	stream.linear.gather [hbm4b:s5+s3], $0x400, $0x38;
	[tilespmem:$0x1C800] =	vst v63  }
0x44: {  	_ =	swait.ge [sflag:s20], $0x400  }
0x45: {  	[sflag:s20] =	ssyncset.done $0x0  }
0x46: {  	[sflag:s20] =	ssyncadd.s32 $0xFFFFFC00  }
0x47: {  	[tilespmem:s23], [sflag:$0x1] =	stream.indirect.gather [hbm4b:s4+s22], $0x80, s19, s22, $0xb8;
	[tilespmem:$0x1C800] =	vst v63  }
0x48: {  	_ = 	snop  }
0x49: {  	[tilespmem:s25], [sflag:$0x2] =	stream.indirect.gather [hbm4b:s4+s22], $0x80, s24, s22, $0xb8;
	[tilespmem:$0x1C800] =	vst v63  }
0x4a: {  	_ =	swait.ge [sflag:s26], $0x4000  }
0x4b: {  	[sflag:s26] =	ssyncset.done $0x0  }
0x4c: {  	[sflag:s26] =	ssyncadd.s32 $0xFFFFC000  }
0x4d: {  	[spmem:s1] =	stream.indirect.scatter.add.f32 [tilespmem:s23], [sflag:$0x3], $0x80, s21, s22, $0xb8;
	[tilespmem:$0x1C800] =	vst v63  }
0x4e: {  	_ =	swait.ge [sflag:s20], $0x4000  }
0x4f: {  	[sflag:s20] =	ssyncset.done $0x0  }
0x50: {  	[sflag:s20] =	ssyncadd.s32 $0xFFFFC000  }
0x51: {  	[tilespmem:s23], [sflag:$0x1] =	stream.indirect.gather [hbm4b:s4+s22], $0x80, s28, s22, $0xb8;
	[tilespmem:$0x1C800] =	vst v63  }
0x52: {  	_ =	swait.ge [sflag:s29], $0x4000  }
0x53: {  	[sflag:s29] =	ssyncset.done $0x0  }
0x54: {  	[sflag:s29] =	ssyncadd.s32 $0xFFFFC000  }
0x55: {  	[spmem:s1] =	stream.indirect.scatter.add.f32 [tilespmem:s25], [sflag:$0x3], $0x80, s30, s22, $0xb8;
	[tilespmem:$0x1C800] =	vst v63  }
0x56: {  	_ =	swait.ge [sflag:s20], $0x4000  }
0x57: {  	[sflag:s20] =	ssyncset.done $0x0  }
0x58: {  	[sflag:s20] =	ssyncadd.s32 $0xFFFFC000  }
0x59: {  	[tilespmem:s25], [sflag:$0x2] =	stream.indirect.gather [hbm4b:s4+s22], $0x80, s31, s22, $0xb8;
	[tilespmem:$0x1C800] =	vst v63  }
0x5a: {  	_ =	swait.ge [sflag:s26], $0x4000  }
0x5b: {  	[sflag:s26] =	ssyncset.done $0x0  }
0x5c: {  	[sflag:s26] =	ssyncadd.s32 $0xFFFFC000  }
0x5d: {  	[spmem:s1] =	stream.indirect.scatter.add.f32 [tilespmem:s23], [sflag:$0x3], $0x80, s0, s22, $0xb8;
	[tilespmem:$0x1C800] =	vst v63  }
0x5e: {  	_ =	swait.ge [sflag:s20], $0x4000  }
0x5f: {  	[sflag:s20] =	ssyncset.done $0x0  }
0x60: {  	[sflag:s20] =	ssyncadd.s32 $0xFFFFC000  }
0x61: {  	[tilespmem:s23], [sflag:$0x1] =	stream.indirect.gather [hbm4b:s4+s22], $0x80, s2, s22, $0xb8;
	[tilespmem:$0x1C800] =	vst v63  }
0x62: {  	_ =	swait.ge [sflag:s29], $0x4000  }
0x63: {  	[sflag:s29] =	ssyncset.done $0x0  }
0x64: {  	[sflag:s29] =	ssyncadd.s32 $0xFFFFC000  }
0x65: {  	[spmem:s1] =	stream.indirect.scatter.add.f32 [tilespmem:s25], [sflag:$0x3], $0x80, s7, s22, $0xb8;
	[tilespmem:$0x1C800] =	vst v63  }
0x66: {  	_ =	swait.ge [sflag:s20], $0x4000  }
0x67: {  	[sflag:s20] =	ssyncset.done $0x0  }
0x68: {  	[sflag:s20] =	ssyncadd.s32 $0xFFFFC000  }
0x69: {  	[tilespmem:s25], [sflag:$0x2] =	stream.indirect.gather [hbm4b:s4+s22], $0x80, s8, s22, $0xb8;
	[tilespmem:$0x1C800] =	vst v63  }
0x6a: {  	_ =	swait.ge [sflag:s26], $0x4000  }
0x6b: {  	[sflag:s26] =	ssyncset.done $0x0  }
0x6c: {  	[sflag:s26] =	ssyncadd.s32 $0xFFFFC000  }
0x6d: {  	[spmem:s1] =	stream.indirect.scatter.add.f32 [tilespmem:s23], [sflag:$0x3], $0x80, s9, s22, $0xb8;
	[tilespmem:$0x1C800] =	vst v63  }
0x6e: {  	_ =	swait.ge [sflag:s20], $0x4000  }
0x6f: {  	[sflag:s20] =	ssyncset.done $0x0  }
0x70: {  	[sflag:s20] =	ssyncadd.s32 $0xFFFFC000  }
0x71: {  	[tilespmem:s23], [sflag:$0x1] =	stream.indirect.gather [hbm4b:s4+s22], $0x80, s12, s22, $0xb8;
	[tilespmem:$0x1C800] =	vst v63  }
0x72: {  	_ =	swait.ge [sflag:s29], $0x4000  }
0x73: {  	[sflag:s29] =	ssyncset.done $0x0  }
0x74: {  	[sflag:s29] =	ssyncadd.s32 $0xFFFFC000  }
0x75: {  	[spmem:s1] =	stream.indirect.scatter.add.f32 [tilespmem:s25], [sflag:$0x3], $0x80, s13, s22, $0xb8;
	[tilespmem:$0x1C800] =	vst v63  }
0x76: {  	_ =	swait.ge [sflag:s20], $0x4000  }
0x77: {  	[sflag:s20] =	ssyncset.done $0x0  }
0x78: {  	[sflag:s20] =	ssyncadd.s32 $0xFFFFC000  }
0x79: {  	[tilespmem:s25], [sflag:$0x2] =	stream.indirect.gather [hbm4b:s4+s22], $0x80, s14, s22, $0xb8;
	[tilespmem:$0x1C800] =	vst v63  }
0x7a: {  	_ =	swait.ge [sflag:s26], $0x4000  }
0x7b: {  	[sflag:s26] =	ssyncset.done $0x0  }
0x7c: {  	[sflag:s26] =	ssyncadd.s32 $0xFFFFC000  }
0x7d: {  	[spmem:s1] =	stream.indirect.scatter.add.f32 [tilespmem:s23], [sflag:$0x3], $0x80, s15, s22, $0xb8;
	[tilespmem:$0x1C800] =	vst v63  }
0x7e: {  	_ =	swait.ge [sflag:s20], $0x4000  }
0x7f: {  	[sflag:s20] =	ssyncset.done $0x0  }
0x80: {  	[sflag:s20] =	ssyncadd.s32 $0xFFFFC000  }
0x81: {  	_ =	swait.ge [sflag:s29], $0x4000  }
0x82: {  	[sflag:s29] =	ssyncset.done $0x0  }
0x83: {  	[sflag:s29] =	ssyncadd.s32 $0xFFFFC000  }
0x84: {  	[spmem:s1] =	stream.indirect.scatter.add.f32 [tilespmem:s25], [sflag:$0x3], $0x80, s16, s22, $0xb8;
	[tilespmem:$0x1C800] =	vst v63  }
0x85: {  	_ =	swait.ge [sflag:s20], $0x4000  }
0x86: {  	s6 =	simm.s32 $0x100;
	s18 =	simm.s32 $0x80;
	[sflag:s20] =	ssyncset.done $0x0  }
.LBB2_2:
0x87: {  	s11 =	sadd.s32 s18, s10;
	[sflag:s20] =	ssyncadd.s32 $0xFFFFC000  }
0x88: {  	[tilespmem:s19], [sflag:$0x3] =	stream.linear.gather [hbm4b:s11+s3], $0x400, $0x38;
	[tilespmem:$0x1C800] =	vst v63  }
0x89: {  	s17 =	smov.u32 s6;
	_ =	swait.ge [sflag:s20], $0x400  }
0x8a: {  	s5 =	sadd.s32 $0x80, s6;
	s11 =	rddreg [dreg:$0x4];
	[sflag:s20] =	ssyncset.done $0x0  }
0x8b: {  	p1 =	sne.s32 s6, $0x480;
	[sflag:s20] =	ssyncadd.s32 $0xFFFFFC00;
	s6 =	sadd.s32 s18, s11  }
0x8c: {  	[tilespmem:s21], [sflag:$0x3] =	stream.linear.gather [hbm4b:s6+s3], $0x400, $0x38;
	[tilespmem:$0x1C800] =	vst v63  }
0x8d: {  	_ =	swait.ge [sflag:s20], $0x400  }
0x8e: {  	[sflag:s20] =	ssyncset.done $0x0  }
0x8f: {  	[sflag:s20] =	ssyncadd.s32 $0xFFFFFC00  }
0x90: {  	[tilespmem:s23], [sflag:$0x1] =	stream.indirect.gather [hbm4b:s4+s22], $0x80, s19, s22, $0xb8;
	[tilespmem:$0x1C800] =	vst v63  }
0x91: {  	_ = 	snop  }
0x92: {  	[tilespmem:s25], [sflag:$0x2] =	stream.indirect.gather [hbm4b:s4+s22], $0x80, s24, s22, $0xb8;
	[tilespmem:$0x1C800] =	vst v63  }
0x93: {  	_ =	swait.ge [sflag:s26], $0x4000  }
0x94: {  	[sflag:s26] =	ssyncset.done $0x0  }
0x95: {  	[sflag:s26] =	ssyncadd.s32 $0xFFFFC000  }
0x96: {  	[spmem:s1] =	stream.indirect.scatter.add.f32 [tilespmem:s23], [sflag:$0x3], $0x80, s21, s22, $0xb8;
	[tilespmem:$0x1C800] =	vst v63  }
0x97: {  	_ =	swait.ge [sflag:s20], $0x4000  }
0x98: {  	[sflag:s20] =	ssyncset.done $0x0  }
0x99: {  	[sflag:s20] =	ssyncadd.s32 $0xFFFFC000  }
0x9a: {  	[tilespmem:s23], [sflag:$0x1] =	stream.indirect.gather [hbm4b:s4+s22], $0x80, s28, s22, $0xb8;
	[tilespmem:$0x1C800] =	vst v63  }
0x9b: {  	_ =	swait.ge [sflag:s29], $0x4000  }
0x9c: {  	[sflag:s29] =	ssyncset.done $0x0  }
0x9d: {  	[sflag:s29] =	ssyncadd.s32 $0xFFFFC000  }
0x9e: {  	[spmem:s1] =	stream.indirect.scatter.add.f32 [tilespmem:s25], [sflag:$0x3], $0x80, s30, s22, $0xb8;
	[tilespmem:$0x1C800] =	vst v63  }
0x9f: {  	_ =	swait.ge [sflag:s20], $0x4000  }
0xa0: {  	[sflag:s20] =	ssyncset.done $0x0  }
0xa1: {  	[sflag:s20] =	ssyncadd.s32 $0xFFFFC000  }
0xa2: {  	[tilespmem:s25], [sflag:$0x2] =	stream.indirect.gather [hbm4b:s4+s22], $0x80, s31, s22, $0xb8;
	[tilespmem:$0x1C800] =	vst v63  }
0xa3: {  	_ =	swait.ge [sflag:s26], $0x4000  }
0xa4: {  	[sflag:s26] =	ssyncset.done $0x0  }
0xa5: {  	[sflag:s26] =	ssyncadd.s32 $0xFFFFC000  }
0xa6: {  	[spmem:s1] =	stream.indirect.scatter.add.f32 [tilespmem:s23], [sflag:$0x3], $0x80, s0, s22, $0xb8;
	[tilespmem:$0x1C800] =	vst v63  }
0xa7: {  	_ =	swait.ge [sflag:s20], $0x4000  }
0xa8: {  	[sflag:s20] =	ssyncset.done $0x0  }
0xa9: {  	[sflag:s20] =	ssyncadd.s32 $0xFFFFC000  }
0xaa: {  	[tilespmem:s23], [sflag:$0x1] =	stream.indirect.gather [hbm4b:s4+s22], $0x80, s2, s22, $0xb8;
	[tilespmem:$0x1C800] =	vst v63  }
0xab: {  	_ =	swait.ge [sflag:s29], $0x4000  }
0xac: {  	[sflag:s29] =	ssyncset.done $0x0  }
0xad: {  	[sflag:s29] =	ssyncadd.s32 $0xFFFFC000  }
0xae: {  	[spmem:s1] =	stream.indirect.scatter.add.f32 [tilespmem:s25], [sflag:$0x3], $0x80, s7, s22, $0xb8;
	[tilespmem:$0x1C800] =	vst v63  }
0xaf: {  	_ =	swait.ge [sflag:s20], $0x4000  }
0xb0: {  	[sflag:s20] =	ssyncset.done $0x0  }
0xb1: {  	[sflag:s20] =	ssyncadd.s32 $0xFFFFC000  }
0xb2: {  	[tilespmem:s25], [sflag:$0x2] =	stream.indirect.gather [hbm4b:s4+s22], $0x80, s8, s22, $0xb8;
	[tilespmem:$0x1C800] =	vst v63  }
0xb3: {  	_ =	swait.ge [sflag:s26], $0x4000  }
0xb4: {  	[sflag:s26] =	ssyncset.done $0x0  }
0xb5: {  	[sflag:s26] =	ssyncadd.s32 $0xFFFFC000  }
0xb6: {  	[spmem:s1] =	stream.indirect.scatter.add.f32 [tilespmem:s23], [sflag:$0x3], $0x80, s9, s22, $0xb8;
	[tilespmem:$0x1C800] =	vst v63  }
0xb7: {  	_ =	swait.ge [sflag:s20], $0x4000  }
0xb8: {  	[sflag:s20] =	ssyncset.done $0x0  }
0xb9: {  	[sflag:s20] =	ssyncadd.s32 $0xFFFFC000  }
0xba: {  	[tilespmem:s23], [sflag:$0x1] =	stream.indirect.gather [hbm4b:s4+s22], $0x80, s12, s22, $0xb8;
	[tilespmem:$0x1C800] =	vst v63  }
0xbb: {  	_ =	swait.ge [sflag:s29], $0x4000  }
0xbc: {  	[sflag:s29] =	ssyncset.done $0x0  }
0xbd: {  	[sflag:s29] =	ssyncadd.s32 $0xFFFFC000  }
0xbe: {  	[spmem:s1] =	stream.indirect.scatter.add.f32 [tilespmem:s25], [sflag:$0x3], $0x80, s13, s22, $0xb8;
	[tilespmem:$0x1C800] =	vst v63  }
0xbf: {  	_ =	swait.ge [sflag:s20], $0x4000  }
0xc0: {  	[sflag:s20] =	ssyncset.done $0x0  }
0xc1: {  	[sflag:s20] =	ssyncadd.s32 $0xFFFFC000  }
0xc2: {  	[tilespmem:s25], [sflag:$0x2] =	stream.indirect.gather [hbm4b:s4+s22], $0x80, s14, s22, $0xb8;
	[tilespmem:$0x1C800] =	vst v63  }
0xc3: {  	_ =	swait.ge [sflag:s26], $0x4000  }
0xc4: {  	[sflag:s26] =	ssyncset.done $0x0  }
0xc5: {  	[sflag:s26] =	ssyncadd.s32 $0xFFFFC000  }
0xc6: {  	[spmem:s1] =	stream.indirect.scatter.add.f32 [tilespmem:s23], [sflag:$0x3], $0x80, s15, s22, $0xb8;
	[tilespmem:$0x1C800] =	vst v63  }
0xc7: {  	_ =	swait.ge [sflag:s20], $0x4000  }
0xc8: {  	[sflag:s20] =	ssyncset.done $0x0  }
0xc9: {  	[sflag:s20] =	ssyncadd.s32 $0xFFFFC000  }
0xca: {  	_ =	swait.ge [sflag:s29], $0x4000  }
.Ltmp0:
0xcb: {  	[sflag:s29] =	ssyncset.done $0x0;
	(pc) =	sbr.rel @p1 .LBB2_2-.Ltmp0, $4  }
0xcc: {  	[sflag:s29] =	ssyncadd.s32 $0xFFFFC000  }
0xcd: {  	[spmem:s1] =	stream.indirect.scatter.add.f32 [tilespmem:s25], [sflag:$0x3], $0x80, s16, s22, $0xb8;
	[tilespmem:$0x1C800] =	vst v63  }
0xce: {  	_ =	swait.ge [sflag:s20], $0x4000  }
0xcf: {  	s18 =	smov.u32 s17;
	s6 =	smov.u32 s5;
	[sflag:s20] =	ssyncset.done $0x0  }
0xd0: {  	s5 =	sadd.s32 s18, s10;
	[sflag:s20] =	ssyncadd.s32 $0xFFFFC000  }
0xd1: {  	[tilespmem:s19], [sflag:$0x3] =	stream.linear.gather [hbm4b:s5+s3], $0x400, $0x38;
	[tilespmem:$0x1C800] =	vst v63  }
0xd2: {  	_ =	swait.ge [sflag:s20], $0x400  }
0xd3: {  	s6 =	rddreg [dreg:$0x4];
	[sflag:s20] =	ssyncset.done $0x0  }
0xd4: {  	[sflag:s20] =	ssyncadd.s32 $0xFFFFFC00;
	s5 =	sadd.s32 s18, s6  }
0xd5: {  	[tilespmem:s21], [sflag:$0x3] =	stream.linear.gather [hbm4b:s5+s3], $0x400, $0x38;
	[tilespmem:$0x1C800] =	vst v63  }
0xd6: {  	_ =	swait.ge [sflag:s20], $0x400  }
0xd7: {  	[sflag:s20] =	ssyncset.done $0x0  }
0xd8: {  	[sflag:s20] =	ssyncadd.s32 $0xFFFFFC00  }
0xd9: {  	[tilespmem:s23], [sflag:$0x1] =	stream.indirect.gather [hbm4b:s4+s22], $0x80, s19, s22, $0xb8;
	[tilespmem:$0x1C800] =	vst v63  }
0xda: {  	_ = 	snop  }
0xdb: {  	[tilespmem:s25], [sflag:$0x2] =	stream.indirect.gather [hbm4b:s4+s22], $0x80, s24, s22, $0xb8;
	[tilespmem:$0x1C800] =	vst v63  }
0xdc: {  	_ =	swait.ge [sflag:s26], $0x4000  }
0xdd: {  	[sflag:s26] =	ssyncset.done $0x0  }
0xde: {  	[sflag:s26] =	ssyncadd.s32 $0xFFFFC000  }
0xdf: {  	[spmem:s1] =	stream.indirect.scatter.add.f32 [tilespmem:s23], [sflag:$0x3], $0x80, s21, s22, $0xb8;
	[tilespmem:$0x1C800] =	vst v63  }
0xe0: {  	_ =	swait.ge [sflag:s20], $0x4000  }
0xe1: {  	[sflag:s20] =	ssyncset.done $0x0  }
0xe2: {  	[sflag:s20] =	ssyncadd.s32 $0xFFFFC000  }
0xe3: {  	[tilespmem:s23], [sflag:$0x1] =	stream.indirect.gather [hbm4b:s4+s22], $0x80, s28, s22, $0xb8;
	[tilespmem:$0x1C800] =	vst v63  }
0xe4: {  	_ =	swait.ge [sflag:s29], $0x4000  }
0xe5: {  	[sflag:s29] =	ssyncset.done $0x0  }
0xe6: {  	[sflag:s29] =	ssyncadd.s32 $0xFFFFC000  }
0xe7: {  	[spmem:s1] =	stream.indirect.scatter.add.f32 [tilespmem:s25], [sflag:$0x3], $0x80, s30, s22, $0xb8;
	[tilespmem:$0x1C800] =	vst v63  }
0xe8: {  	_ =	swait.ge [sflag:s20], $0x4000  }
0xe9: {  	[sflag:s20] =	ssyncset.done $0x0  }
0xea: {  	[sflag:s20] =	ssyncadd.s32 $0xFFFFC000  }
0xeb: {  	[tilespmem:s25], [sflag:$0x2] =	stream.indirect.gather [hbm4b:s4+s22], $0x80, s31, s22, $0xb8;
	[tilespmem:$0x1C800] =	vst v63  }
0xec: {  	_ =	swait.ge [sflag:s26], $0x4000  }
0xed: {  	[sflag:s26] =	ssyncset.done $0x0  }
0xee: {  	[sflag:s26] =	ssyncadd.s32 $0xFFFFC000  }
0xef: {  	[spmem:s1] =	stream.indirect.scatter.add.f32 [tilespmem:s23], [sflag:$0x3], $0x80, s0, s22, $0xb8;
	[tilespmem:$0x1C800] =	vst v63  }
0xf0: {  	_ =	swait.ge [sflag:s20], $0x4000  }
0xf1: {  	[sflag:s20] =	ssyncset.done $0x0  }
0xf2: {  	[sflag:s20] =	ssyncadd.s32 $0xFFFFC000  }
0xf3: {  	[tilespmem:s23], [sflag:$0x1] =	stream.indirect.gather [hbm4b:s4+s22], $0x80, s2, s22, $0xb8;
	[tilespmem:$0x1C800] =	vst v63  }
0xf4: {  	_ =	swait.ge [sflag:s29], $0x4000  }
0xf5: {  	[sflag:s29] =	ssyncset.done $0x0  }
0xf6: {  	[sflag:s29] =	ssyncadd.s32 $0xFFFFC000  }
0xf7: {  	[spmem:s1] =	stream.indirect.scatter.add.f32 [tilespmem:s25], [sflag:$0x3], $0x80, s7, s22, $0xb8;
	[tilespmem:$0x1C800] =	vst v63  }
0xf8: {  	_ =	swait.ge [sflag:s20], $0x4000  }
0xf9: {  	[sflag:s20] =	ssyncset.done $0x0  }
0xfa: {  	[sflag:s20] =	ssyncadd.s32 $0xFFFFC000  }
0xfb: {  	[tilespmem:s25], [sflag:$0x2] =	stream.indirect.gather [hbm4b:s4+s22], $0x80, s8, s22, $0xb8;
	[tilespmem:$0x1C800] =	vst v63  }
0xfc: {  	_ =	swait.ge [sflag:s26], $0x4000  }
0xfd: {  	[sflag:s26] =	ssyncset.done $0x0  }
0xfe: {  	[sflag:s26] =	ssyncadd.s32 $0xFFFFC000  }
0xff: {  	[spmem:s1] =	stream.indirect.scatter.add.f32 [tilespmem:s23], [sflag:$0x3], $0x80, s9, s22, $0xb8;
	[tilespmem:$0x1C800] =	vst v63  }
0x100: {  	_ =	swait.ge [sflag:s20], $0x4000  }
0x101: {  	[sflag:s20] =	ssyncset.done $0x0  }
0x102: {  	[sflag:s20] =	ssyncadd.s32 $0xFFFFC000  }
0x103: {  	[tilespmem:s23], [sflag:$0x1] =	stream.indirect.gather [hbm4b:s4+s22], $0x80, s12, s22, $0xb8;
	[tilespmem:$0x1C800] =	vst v63  }
0x104: {  	_ =	swait.ge [sflag:s29], $0x4000  }
0x105: {  	[sflag:s29] =	ssyncset.done $0x0  }
0x106: {  	[sflag:s29] =	ssyncadd.s32 $0xFFFFC000  }
0x107: {  	[spmem:s1] =	stream.indirect.scatter.add.f32 [tilespmem:s25], [sflag:$0x3], $0x80, s13, s22, $0xb8;
	[tilespmem:$0x1C800] =	vst v63  }
0x108: {  	_ =	swait.ge [sflag:s20], $0x4000  }
0x109: {  	[sflag:s20] =	ssyncset.done $0x0  }
0x10a: {  	[sflag:s20] =	ssyncadd.s32 $0xFFFFC000  }
0x10b: {  	[tilespmem:s25], [sflag:$0x2] =	stream.indirect.gather [hbm4b:s4+s22], $0x80, s14, s22, $0xb8;
	[tilespmem:$0x1C800] =	vst v63  }
0x10c: {  	_ =	swait.ge [sflag:s26], $0x4000  }
0x10d: {  	[sflag:s26] =	ssyncset.done $0x0  }
0x10e: {  	[sflag:s26] =	ssyncadd.s32 $0xFFFFC000  }
0x10f: {  	[spmem:s1] =	stream.indirect.scatter.add.f32 [tilespmem:s23], [sflag:$0x3], $0x80, s15, s22, $0xb8;
	[tilespmem:$0x1C800] =	vst v63  }
0x110: {  	_ =	swait.ge [sflag:s20], $0x4000  }
0x111: {  	[sflag:s20] =	ssyncset.done $0x0  }
0x112: {  	[sflag:s20] =	ssyncadd.s32 $0xFFFFC000  }
0x113: {  	_ =	swait.ge [sflag:s29], $0x4000  }
0x114: {  	[sflag:s29] =	ssyncset.done $0x0  }
0x115: {  	[sflag:s29] =	ssyncadd.s32 $0xFFFFC000  }
0x116: {  	[spmem:s1] =	stream.indirect.scatter.add.f32 [tilespmem:s25], [sflag:$0x3], $0x80, s16, s22, $0xb8;
	[tilespmem:$0x1C800] =	vst v63  }
0x117: {  	_ =	swait.ge [sflag:s20], $0x4000  }
0x118: {  	[sflag:s20] =	ssyncset.done $0x0  }
0x119: {  	[sflag:s20] =	ssyncadd.s32 $0xFFFFC000  }
0x11a: {  	s11 =	stileid.u32;
	[bflag:$0x0] =	sbarrier.arrive $0xFFFF  }
0x11b: {  	s5 =	sshll.u32 s11, $0x6;
	s6 =	rddreg [dreg:$0x6]  }
0x11c: {  	s5 =	sor.u32 $0x1C03, s5;
	s11 =	rddreg [dreg:$0x8];
	s6 =	sshrl.u32 s6, $0x3  }
0x11d: {  	[hbm:s11], [sflag:s5] =	dma.local [spmem:s6], $0x2800  }
0x11e: {  	_ =	swait.ge [sflag:s20], $0x2800  }
0x11f: {  	s17 =	rddreg [dreg:$0x12]  }
0x120: {  	s18 =	rddreg [dreg:$0x9];
	s6 =	sadd.s32 $0x1, s17  }
0x121: {  	p1 =	sne.s32 s6, s18  }
.Ltmp1:
0x122: {  	_ = 	snop;
	(pc) =	sbr.rel @p1 .LBB2_1-.Ltmp1, $3  }
0x123: {  	_ =	sdelay $0x1  }
0x124: {  	[sflag:s20] =	ssyncset.done $0x0  }
0x125: {  	[sflag:s20] =	ssyncadd.s32 $0xFFFFD800  }
0x126: {  	_ =	sfence.sel $0x180000  }
0x127: {  	[bflag:$0x0] =	sbarrier.arrive $0xFFFF  }
0x128: {  	_ =	strace $0x9000004A  }
0x129: {  	s0 =	stileid.u32;
	[bflag:$0x2] =	sbarrier.arrive $0xFFFF  }
0x12a: {  	p0 =	sne.s32 s0, $0x0;
	s0 =	rddreg [dreg:$0x3]  }
0x12b: {  	s0 =	sadd.s32 @!p0 $0x100000, s0  }
0x12c: {  	[sflag:s0] =	ssyncadd.tile.s32 @!p0 $0x1;
	_ =	shalt  }
.Lfunc_end2:
_tile_overlayer_lowered:
.L_overlay_start_2:
0x12d: {  	(tag) =	ssettag $0x2  }
0x12e: {  	s0 =	rddreg [dreg:$0x0];
	s2 =	stileid.u32  }
0x12f: {  	s1 =	rddreg [dreg:$0x1];
	p0 =	sne.s32 s2, $0x0  }
0x130: {  	s3 =	rddreg [dreg:$0x2];
	[bflag:$0x3] =	sbarrier.arrive $0xFFFF;
	s2 =	simm.s32 @!p0 $0x1C03  }
0x131: {  	[timem:s3], [sflag:s2] =	dma.local @!p0 [hbm:s0], s1  }
0x132: {  	s0 =	simm.s32 @!p0 $0x3  }
0x133: {  	_ =	swait.ge @!p0 [sflag:s0], s1  }
0x134: {  	s1 =	ssub.s32 @!p0 $0x0, s1;
	[sflag:s0] =	ssyncset.done @!p0 $0x0  }
0x135: {  	[sflag:s0] =	ssyncadd.s32 @!p0 s1  }
0x136: {  	[bflag:$0x3] =	sbarrier.arrive $0xFFFF  }
0x137: {  	_ =	shalt  }

</sc_bundles>
